<compile_context>
chip_gen: v7x
topology: tpu7x:2x2x1
jax: 0.10.2.dev20260603
libtpu: 0.0.44.dev20260713+nightly
codegen_flags: <defaults>
</compile_context>

<pallas_src>
import functools

import jax
import jax.numpy as jnp
from jax import lax
from jax.experimental import pallas as pl
from jax.experimental.pallas import tpu as pltpu
from jax.experimental.pallas import tpu_sc as plsc

N = 10000
E = 320000
D = 128
NT = 16
ALPHA = 1.0

NC = 2
NS = 16
NW = NC * NS

CHUNK = 400
NPAD1 = 10240
ROWS1 = NPAD1 // NS
NH = 5000
NPAD2 = 5120
ROWS2 = NPAD2 // NS
TRASH = NPAD2 - 1

EPT1 = E // NW
NCH1 = EPT1 // CHUNK
EPT2 = E // NS
NCH2 = EPT2 // CHUNK

_mesh = plsc.VectorSubcoreMesh(core_axis_name="c", subcore_axis_name="s")

RBLK = 400
GRID = N // RBLK


def _zero_rows(ref, nrows, width):
    z = jnp.zeros((16,), jnp.float32)

    def body(r, _):
        for cc in range(width // 16):
            ref[r, pl.ds(cc * 16, 16)] = z
        return 0

    lax.fori_loop(0, nrows, body, 0)


def _redirect(dst_v, idx_v, base):

    def body(i, _):
        d = dst_v[pl.ds(i * 16, 16)]
        local = d - base
        ok = (local >= 0) & (local < NH)
        idx_v[pl.ds(i * 16, 16)] = jnp.where(ok, local, TRASH)
        return 0

    lax.fori_loop(0, CHUNK // 16, body, 0)



@functools.partial(
    pl.kernel,
    out_type=jax.ShapeDtypeStruct((NC, NPAD2, 16), jnp.float32),
    mesh=_mesh,
    scratch_types=[
        pltpu.VMEM((CHUNK,), jnp.int32),
        pltpu.VMEM((CHUNK,), jnp.int32),
        pltpu.VMEM((CHUNK, 16), jnp.float32),
        pltpu.VMEM_SHARED((NPAD2, 16), jnp.float32),
    ],
)
def _deg_kernel(dst_hbm, out_hbm, dst_v, idx_v, ones_v, acc):
    c = lax.axis_index("c")
    s = lax.axis_index("s")
    base_r = s * ROWS2

    one = jnp.ones((16,), jnp.float32)

    def fill(r, _):
        ones_v[r, pl.ds(0, 16)] = jnp.zeros((16,), jnp.float32)
        return 0

    lax.fori_loop(0, CHUNK, fill, 0)
    pltpu.sync_copy(ones_v.at[pl.ds(0, ROWS2), :],
                    acc.at[pl.ds(base_r, ROWS2), :])

    def fill1(r, _):
        ones_v[r, pl.ds(0, 16)] = one
        return 0

    lax.fori_loop(0, CHUNK, fill1, 0)
    plsc.subcore_barrier()

    nbase = c * NH

    def step(g, _):
        base_e = s * EPT2 + g * CHUNK
        pltpu.sync_copy(dst_hbm.at[pl.ds(base_e, CHUNK)], dst_v)
        _redirect(dst_v, idx_v, nbase)
        pltpu.sync_copy(ones_v, acc.at[idx_v], add=True)
        return 0

    lax.fori_loop(0, NCH2, step, 0)
    plsc.subcore_barrier()
    pltpu.sync_copy(acc.at[pl.ds(base_r, ROWS2), :],
                    out_hbm.at[c, pl.ds(base_r, ROWS2), :])



@functools.partial(
    pl.kernel,
    out_type=jax.ShapeDtypeStruct((NC, NPAD2, D), jnp.float32),
    mesh=_mesh,
    scratch_types=[
        pltpu.VMEM((CHUNK,), jnp.int32),
        pltpu.VMEM((CHUNK,), jnp.int32),
        pltpu.VMEM((CHUNK,), jnp.int32),
        pltpu.VMEM((CHUNK, D), jnp.float32),
        pltpu.SemaphoreType.DMA,
        pltpu.VMEM_SHARED((NPAD2, D), jnp.float32),
    ],
)
def _agg2_kernel(hs_hbm, src_hbm, dst_hbm, out_hbm, src_v, dst_v, idx_v,
                 rows_v, sem, acc):
    c = lax.axis_index("c")
    s = lax.axis_index("s")
    base_r = s * ROWS2

    _zero_rows(rows_v, ROWS2, D)
    pltpu.sync_copy(rows_v.at[pl.ds(0, ROWS2), :],
                    acc.at[pl.ds(base_r, ROWS2), :])
    plsc.subcore_barrier()

    nbase = c * NH

    def step(g, _):
        base_e = s * EPT2 + g * CHUNK
        pltpu.sync_copy(src_hbm.at[pl.ds(base_e, CHUNK)], src_v)
        pltpu.sync_copy(dst_hbm.at[pl.ds(base_e, CHUNK)], dst_v)
        _redirect(dst_v, idx_v, nbase)
        pltpu.async_copy(hs_hbm.at[src_v], rows_v, sem).wait()
        pltpu.sync_copy(rows_v, acc.at[idx_v], add=True)
        return 0

    lax.fori_loop(0, NCH2, step, 0)
    plsc.subcore_barrier()
    pltpu.sync_copy(acc.at[pl.ds(base_r, ROWS2), :],
                    out_hbm.at[c, pl.ds(base_r, ROWS2), :])



def _dense1_body(x_ref, dg_ref, Wself_ref, bself_ref, W1_ref, hself_ref,
                 hs1_ref, dinv_ref):
    x = x_ref[...]
    deg = dg_ref[:, 0:1] + 1.0
    dinv = lax.rsqrt(deg)
    hself = jnp.maximum(
        lax.dot_general(x, Wself_ref[...], (((1,), (1,)), ((), ())),
                        preferred_element_type=jnp.float32) + bself_ref[...],
        0.0)
    h1 = lax.dot_general(x, W1_ref[...], (((1,), (1,)), ((), ())),
                         preferred_element_type=jnp.float32)
    hself_ref[...] = hself
    hs1_ref[...] = dinv * h1
    dinv_ref[...] = dinv


def _dense2_body(p_ref, hs1_ref, hself_ref, dinv_ref, b1_ref, Wd_ref, bd_ref,
                 rec_ref, W2_ref, gs_ref, u_ref):
    dinv = dinv_ref[...]
    agg = p_ref[...] + hs1_ref[...]
    neigh = jnp.maximum(dinv * agg + b1_ref[...], 0.0)
    logits = lax.dot_general(neigh, Wd_ref[...], (((1,), (1,)), ((), ())),
                             preferred_element_type=jnp.float32) + bd_ref[...]
    m = jnp.max(logits, axis=-1, keepdims=True)
    ex = jnp.exp(logits - m)
    p = ex / jnp.sum(ex, axis=-1, keepdims=True)

    rec = rec_ref[...]
    mu = jnp.sum(rec) / NT
    var = jnp.sum((rec - mu) ** 2) / (NT - 1)
    z = (rec - mu) / (jnp.sqrt(var) + 1e-8)
    res = 1.0 / (1.0 + jnp.exp(-ALPHA * z))

    u = jnp.sum(res * (1.0 - p), axis=-1, keepdims=True) / NT
    u = jnp.clip(u, 0.0, 1.0)
    h1 = jnp.maximum((1.0 - u) * hself_ref[...] + u * neigh, 0.0)
    g = lax.dot_general(h1, W2_ref[...], (((1,), (1,)), ((), ())),
                        preferred_element_type=jnp.float32)
    gs_ref[...] = dinv * g
    u_ref[...] = u


def _dense3_body(q_ref, gs_ref, dinv_ref, b2_ref, Wd_ref, bd_ref, p_ref):
    dinv = dinv_ref[...]
    h2 = jnp.maximum(dinv * (q_ref[...] + gs_ref[...]) + b2_ref[...], 0.0)
    logits = lax.dot_general(h2, Wd_ref[...], (((1,), (1,)), ((), ())),
                             preferred_element_type=jnp.float32) + bd_ref[...]
    m = jnp.max(logits, axis=-1, keepdims=True)
    ex = jnp.exp(logits - m)
    p_ref[...] = ex / jnp.sum(ex, axis=-1, keepdims=True)


def _rows(i):
    return (i, 0)


_B_ROWS = pl.BlockSpec((RBLK, D), _rows)
_B_ROWS16 = pl.BlockSpec((RBLK, NT), _rows)
_B_ROW1 = pl.BlockSpec((RBLK, 1), _rows)
_B_PARTS = pl.BlockSpec((NC, RBLK, D), lambda i: (0, i, 0))
_B_W = pl.BlockSpec((D, D), lambda i: (0, 0))
_B_WD = pl.BlockSpec((NT, D), lambda i: (0, 0))
_B_BIAS = pl.BlockSpec((1, D), lambda i: (0, 0))
_B_BIAS16 = pl.BlockSpec((1, NT), lambda i: (0, 0))


def kernel(x, edge_index, Wself1, bself1, W1, b1, W2, b2, Wd, bd, RE_c):
    src = edge_index[0]
    dst = edge_index[1]
    bself1_2 = bself1.reshape(1, D)
    b1_2 = b1.reshape(1, D)
    b2_2 = b2.reshape(1, D)
    bd_2 = bd.reshape(1, NT)
    rec_2 = RE_c.reshape(1, NT)

    deg_parts = _deg_kernel(dst)
    deg_full = jnp.concatenate([deg_parts[0, :NH], deg_parts[1, :NH]], axis=0)

    hself, hs1, dinv = pl.pallas_call(
        _dense1_body,
        grid=(GRID,),
        in_specs=[_B_ROWS, _B_ROWS16, _B_W, _B_BIAS, _B_W],
        out_specs=[_B_ROWS, _B_ROWS, _B_ROW1],
        out_shape=[
            jax.ShapeDtypeStruct((N, D), jnp.float32),
            jax.ShapeDtypeStruct((N, D), jnp.float32),
            jax.ShapeDtypeStruct((N, 1), jnp.float32),
        ],
    )(x, deg_full, Wself1, bself1_2, W1)

    parts1 = _agg2_kernel(hs1, src, dst)
    agg1 = jnp.concatenate([parts1[0, :NH], parts1[1, :NH]], axis=0)

    gs, u_j = pl.pallas_call(
        _dense2_body,
        grid=(GRID,),
        in_specs=[_B_ROWS, _B_ROWS, _B_ROWS, _B_ROW1, _B_BIAS, _B_WD,
                  _B_BIAS16, _B_BIAS16, _B_W],
        out_specs=[_B_ROWS, _B_ROW1],
        out_shape=[
            jax.ShapeDtypeStruct((N, D), jnp.float32),
            jax.ShapeDtypeStruct((N, 1), jnp.float32),
        ],
    )(agg1, hs1, hself, dinv, b1_2, Wd, bd_2, rec_2, W2)

    parts2 = _agg2_kernel(gs, src, dst)
    agg2 = jnp.concatenate([parts2[0, :NH], parts2[1, :NH]], axis=0)

    p = pl.pallas_call(
        _dense3_body,
        grid=(GRID,),
        in_specs=[_B_ROWS, _B_ROWS, _B_ROW1, _B_BIAS, _B_WD, _B_BIAS16],
        out_specs=_B_ROWS16,
        out_shape=jax.ShapeDtypeStruct((N, NT), jnp.float32),
    )(agg2, gs, dinv, b2_2, Wd, bd_2)

    return (p, u_j)

# --- scband reference (transcript-rebuilt; emitter-appended) ---
"""Pipeline reference for scband-uncertainty-gcn-14328010899528 (READ-ONLY COPY).

The authoritative reference and input builder live on the scoring server;
editing this copy changes nothing except your own understanding.
"""

import jax, jax.numpy as jnp
import numpy as np

N = 10000
E = 320000
IN_DIM = 128
HID = 128
NT = 16
ALPHA = 1.0
RE_C = [0.12, 0.85, 0.33, 0.56, 0.91, 0.07, 0.44, 0.68, 0.21, 0.77, 0.5, 0.63, 0.29, 0.95, 0.15, 0.4]


def setup_inputs(seed: int = 0):
    key = jax.random.key(seed)
    ks = jax.random.split(key, 10)
    x = jax.random.normal(ks[0], (N, IN_DIM), dtype=jnp.float32)
    edge_index = jax.random.randint(ks[1], (2, E), 0, N, dtype=jnp.int32)
    s_in = 1.0 / np.sqrt(IN_DIM)
    s_h = 1.0 / np.sqrt(HID)
    Wself1 = jax.random.normal(ks[2], (HID, IN_DIM), dtype=jnp.float32) * s_in
    bself1 = jnp.zeros((HID,), dtype=jnp.float32)
    W1 = jax.random.normal(ks[3], (HID, IN_DIM), dtype=jnp.float32) * s_in
    b1 = jnp.zeros((HID,), dtype=jnp.float32)
    W2 = jax.random.normal(ks[4], (HID, HID), dtype=jnp.float32) * s_h
    b2 = jnp.zeros((HID,), dtype=jnp.float32)
    Wd = jax.random.normal(ks[5], (NT, HID), dtype=jnp.float32) * s_h
    bd = jnp.zeros((NT,), dtype=jnp.float32)
    RE_c = jnp.asarray(RE_C, dtype=jnp.float32)
    return {"x": x, "edge_index": edge_index, "Wself1": Wself1, "bself1": bself1,
            "W1": W1, "b1": b1, "W2": W2, "b2": b2, "Wd": Wd, "bd": bd, "RE_c": RE_c}


def _gcn_conv(x, src, dst, W, b):
    # PyG GCNConv: linear transform, add self-loops, symmetric normalization, sum-aggregate, add bias
    h = x @ W.T
    loop = jnp.arange(N, dtype=src.dtype)
    s = jnp.concatenate([src, loop])
    d = jnp.concatenate([dst, loop])
    deg = jnp.zeros((N,), dtype=x.dtype).at[d].add(1.0)
    dinv = jnp.where(deg > 0, 1.0 / jnp.sqrt(deg), 0.0)
    norm = dinv[s] * dinv[d]
    msg = h[s] * norm[:, None]
    out = jnp.zeros((N, h.shape[1]), dtype=x.dtype).at[d].add(msg)
    return out + b


def reference(x, edge_index, Wself1, bself1, W1, b1, W2, b2, Wd, bd, RE_c):
    src = edge_index[0]
    dst = edge_index[1]
    h_self1 = jax.nn.relu(x @ Wself1.T + bself1)
    h_neigh1 = jax.nn.relu(_gcn_conv(x, src, dst, W1, b1))
    p_tmp = jax.nn.softmax(h_neigh1 @ Wd.T + bd, axis=-1)
    RE_z = (RE_c - RE_c.mean()) / (jnp.std(RE_c, ddof=1) + 1e-08)
    RE_scaled = jax.nn.sigmoid(ALPHA * RE_z)[None, :]
    p_used = jax.lax.stop_gradient(p_tmp)  # detach_p=True
    u_jc = RE_scaled * (1.0 - p_used)
    u_j = u_jc.mean(axis=1, keepdims=True)
    u_j = jnp.clip(u_j, 0.0, 1.0)
    h1 = (1.0 - u_j) * h_self1 + u_j * h_neigh1
    h1 = jax.nn.relu(h1)
    h2 = jax.nn.relu(_gcn_conv(h1, src, dst, W2, b2))
    logits = h2 @ Wd.T + bd
    p = jax.nn.softmax(logits, axis=-1)
    return (p, u_j)

if __name__ == "__main__":
    import jax
    _d = setup_inputs()
    print(jax.jit(kernel)(*tuple(_d.values())))

</pallas_src>

<mosaic_0001>
#map = affine_map<(d0, d1) -> (0, 0)>
#map1 = affine_map<(d0, d1) -> (0)>
#map2 = affine_map<(d0, d1) -> (0, 0, 0)>
module attributes {stable_mosaic.version = 14 : i64} {
  func.func @_agg2_kernel(%arg0: i32, %arg1: i32, %arg2: memref<10000x128xf32, #tpu.memory_space<hbm>>, %arg3: memref<320000xi32, #tpu.memory_space<hbm>>, %arg4: memref<320000xi32, #tpu.memory_space<hbm>>, %arg5: memref<2x5120x128xf32, #tpu.memory_space<hbm>>, %arg6: memref<400xi32, #tpu.memory_space<vmem>>, %arg7: memref<400xi32, #tpu.memory_space<vmem>>, %arg8: memref<400xi32, #tpu.memory_space<vmem>>, %arg9: memref<400x128xf32, #tpu.memory_space<vmem>>, %arg10: memref<!tpu.dma_semaphore, #tpu.memory_space<semaphore_mem>>, %arg11: memref<5120x128xf32, #tpu.memory_space<vmem_shared>>) attributes {dimension_semantics = [#tpu.dimension_semantics<core_parallel>, #tpu.dimension_semantics<subcore_parallel>], iteration_bounds = array<i64: 2, 16>, scalar_prefetch = 0 : i64, scratch_operands = 6 : i64, tpu.core_type = #tpu.core_type<sc_vector_subcore>, window_params = [{transform_indices = #map}, {transform_indices = #map1}, {transform_indices = #map1}, {transform_indices = #map2}]} {
    %mul3A = arith.constant 320 : i32
    %mul3A_0 = arith.muli %arg1, %mul3A : i32
    %broadcast_in_dim3A = arith.constant 0.000000e+00 : f32
    %broadcast_in_dim3A_1 = vector.broadcast %broadcast_in_dim3A : f32 to vector<16xf32>
    %scan3A = arith.constant 0 : i32
    %scan3A_2 = arith.constant 0 : i32
    %scan3A_3 = arith.constant 320 : i32
    %scan3A_4 = arith.addi %scan3A_2, %scan3A_3 : i32
    %scan3A_5 = arith.constant 1 : i32
    %scan3A_6 = scf.for %scan3A_18 = %scan3A_2 to %scan3A_4 step %scan3A_5 iter_args(%scan3A_19 = %scan3A) -> (i32)  : i32 {
      %swap3A = arith.index_cast %scan3A_18 : i32 to index
      %swap3A_20 = arith.constant 0 : index
      %swap3A_21 = tpu.vector_load %arg9[%swap3A, %swap3A_20] {strides = array<i32>} : memref<400x128xf32, #tpu.memory_space<vmem>>, vector<1x16xf32>,
      %swap3A_22 = vector.shape_cast %swap3A_21 : vector<1x16xf32> to vector<16xf32>
      %swap3A_23 = vector.shape_cast %broadcast_in_dim3A_1 : vector<16xf32> to vector<1x16xf32>
      tpu.vector_store %arg9[%swap3A, %swap3A_20], %swap3A_23 {strides = array<i32>} : memref<400x128xf32, #tpu.memory_space<vmem>>, vector<1x16xf32>,
      %swap3A_24 = arith.index_cast %scan3A_18 : i32 to index
      %swap3A_25 = arith.constant 16 : index
      %swap3A_26 = tpu.vector_load %arg9[%swap3A_24, %swap3A_25] {strides = array<i32>} : memref<400x128xf32, #tpu.memory_space<vmem>>, vector<1x16xf32>,
      %swap3A_27 = vector.shape_cast %swap3A_26 : vector<1x16xf32> to vector<16xf32>
      %swap3A_28 = vector.shape_cast %broadcast_in_dim3A_1 : vector<16xf32> to vector<1x16xf32>
      tpu.vector_store %arg9[%swap3A_24, %swap3A_25], %swap3A_28 {strides = array<i32>} : memref<400x128xf32, #tpu.memory_space<vmem>>, vector<1x16xf32>,
      %swap3A_29 = arith.index_cast %scan3A_18 : i32 to index
      %swap3A_30 = arith.constant 32 : index
      %swap3A_31 = tpu.vector_load %arg9[%swap3A_29, %swap3A_30] {strides = array<i32>} : memref<400x128xf32, #tpu.memory_space<vmem>>, vector<1x16xf32>,
      %swap3A_32 = vector.shape_cast %swap3A_31 : vector<1x16xf32> to vector<16xf32>
      %swap3A_33 = vector.shape_cast %broadcast_in_dim3A_1 : vector<16xf32> to vector<1x16xf32>
      tpu.vector_store %arg9[%swap3A_29, %swap3A_30], %swap3A_33 {strides = array<i32>} : memref<400x128xf32, #tpu.memory_space<vmem>>, vector<1x16xf32>,
      %swap3A_34 = arith.index_cast %scan3A_18 : i32 to index
      %swap3A_35 = arith.constant 48 : index
      %swap3A_36 = tpu.vector_load %arg9[%swap3A_34, %swap3A_35] {strides = array<i32>} : memref<400x128xf32, #tpu.memory_space<vmem>>, vector<1x16xf32>,
      %swap3A_37 = vector.shape_cast %swap3A_36 : vector<1x16xf32> to vector<16xf32>
      %swap3A_38 = vector.shape_cast %broadcast_in_dim3A_1 : vector<16xf32> to vector<1x16xf32>
      tpu.vector_store %arg9[%swap3A_34, %swap3A_35], %swap3A_38 {strides = array<i32>} : memref<400x128xf32, #tpu.memory_space<vmem>>, vector<1x16xf32>,
      %swap3A_39 = arith.index_cast %scan3A_18 : i32 to index
      %swap3A_40 = arith.constant 64 : index
      %swap3A_41 = tpu.vector_load %arg9[%swap3A_39, %swap3A_40] {strides = array<i32>} : memref<400x128xf32, #tpu.memory_space<vmem>>, vector<1x16xf32>,
      %swap3A_42 = vector.shape_cast %swap3A_41 : vector<1x16xf32> to vector<16xf32>
      %swap3A_43 = vector.shape_cast %broadcast_in_dim3A_1 : vector<16xf32> to vector<1x16xf32>
      tpu.vector_store %arg9[%swap3A_39, %swap3A_40], %swap3A_43 {strides = array<i32>} : memref<400x128xf32, #tpu.memory_space<vmem>>, vector<1x16xf32>,
      %swap3A_44 = arith.index_cast %scan3A_18 : i32 to index
      %swap3A_45 = arith.constant 80 : index
      %swap3A_46 = tpu.vector_load %arg9[%swap3A_44, %swap3A_45] {strides = array<i32>} : memref<400x128xf32, #tpu.memory_space<vmem>>, vector<1x16xf32>,
      %swap3A_47 = vector.shape_cast %swap3A_46 : vector<1x16xf32> to vector<16xf32>
      %swap3A_48 = vector.shape_cast %broadcast_in_dim3A_1 : vector<16xf32> to vector<1x16xf32>
      tpu.vector_store %arg9[%swap3A_44, %swap3A_45], %swap3A_48 {strides = array<i32>} : memref<400x128xf32, #tpu.memory_space<vmem>>, vector<1x16xf32>,
      %swap3A_49 = arith.index_cast %scan3A_18 : i32 to index
      %swap3A_50 = arith.constant 96 : index
      %swap3A_51 = tpu.vector_load %arg9[%swap3A_49, %swap3A_50] {strides = array<i32>} : memref<400x128xf32, #tpu.memory_space<vmem>>, vector<1x16xf32>,
      %swap3A_52 = vector.shape_cast %swap3A_51 : vector<1x16xf32> to vector<16xf32>
      %swap3A_53 = vector.shape_cast %broadcast_in_dim3A_1 : vector<16xf32> to vector<1x16xf32>
      tpu.vector_store %arg9[%swap3A_49, %swap3A_50], %swap3A_53 {strides = array<i32>} : memref<400x128xf32, #tpu.memory_space<vmem>>, vector<1x16xf32>,
      %swap3A_54 = arith.index_cast %scan3A_18 : i32 to index
      %swap3A_55 = arith.constant 112 : index
      %swap3A_56 = tpu.vector_load %arg9[%swap3A_54, %swap3A_55] {strides = array<i32>} : memref<400x128xf32, #tpu.memory_space<vmem>>, vector<1x16xf32>,
      %swap3A_57 = vector.shape_cast %swap3A_56 : vector<1x16xf32> to vector<16xf32>
      %swap3A_58 = vector.shape_cast %broadcast_in_dim3A_1 : vector<16xf32> to vector<1x16xf32>
      tpu.vector_store %arg9[%swap3A_54, %swap3A_55], %swap3A_58 {strides = array<i32>} : memref<400x128xf32, #tpu.memory_space<vmem>>, vector<1x16xf32>,
      %scan3A_59 = arith.constant 0 : i32
      scf.yield %scan3A_59 : i32
    }
    %scan3A_7 = arith.constant 320 : i32
    "tpu.region"() ({
      %run_scoped3A = tpu.sem_alloc : memref<!tpu.dma_semaphore, #tpu.memory_space<semaphore_mem>>
      %dma_start3A = arith.constant 0 : i32
      %dma_start3A_18 = arith.constant 0 : i32
      %dma_start3A_19 = tpu.memref_slice %arg9[%dma_start3A, %dma_start3A_18] : memref<400x128xf32, #tpu.memory_space<vmem>> -> memref<320x128xf32, #tpu.memory_space<vmem>>
      %dma_start3A_20 = arith.constant 0 : i32
      %dma_start3A_21 = tpu.memref_slice %arg11[%mul3A_0, %dma_start3A_20] : memref<5120x128xf32, #tpu.memory_space<vmem_shared>> -> memref<320x128xf32, #tpu.memory_space<vmem_shared>>
      %dma_start3A_22 = arith.constant 0 : i32
      %dma_start3A_23 = tpu.memref_slice %arg11[%mul3A_0, %dma_start3A_22] : memref<5120x128xf32, #tpu.memory_space<vmem_shared>> -> memref<320x128xf32, #tpu.memory_space<vmem_shared>>
      %dma_start3A_24 = arith.constant 0 : i32
      %dma_start3A_25 = arith.constant 0 : i32
      %dma_start3A_26 = tpu.memref_slice %arg9[%dma_start3A_24, %dma_start3A_25] : memref<400x128xf32, #tpu.memory_space<vmem>> -> memref<320x128xf32, #tpu.memory_space<vmem>>
      tpu.enqueue_dma source(%dma_start3A_26 : memref<320x128xf32, #tpu.memory_space<vmem>>) target(%dma_start3A_23 : memref<320x128xf32, #tpu.memory_space<vmem_shared>>) target_semaphore(%run_scoped3A : memref<!tpu.dma_semaphore, #tpu.memory_space<semaphore_mem>>)
      %dma_wait3A = arith.constant 0 : i32
      %dma_wait3A_27 = arith.constant 0 : i32
      %dma_wait3A_28 = tpu.memref_slice %arg9[%dma_wait3A, %dma_wait3A_27] : memref<400x128xf32, #tpu.memory_space<vmem>> -> memref<320x128xf32, #tpu.memory_space<vmem>>
      %dma_wait3A_29 = arith.constant 0 : i32
      %dma_wait3A_30 = tpu.memref_slice %arg11[%mul3A_0, %dma_wait3A_29] : memref<5120x128xf32, #tpu.memory_space<vmem_shared>> -> memref<320x128xf32, #tpu.memory_space<vmem_shared>>
      %dma_wait3A_31 = arith.constant 0 : i32
      %dma_wait3A_32 = tpu.memref_slice %arg11[%mul3A_0, %dma_wait3A_31] : memref<5120x128xf32, #tpu.memory_space<vmem_shared>> -> memref<320x128xf32, #tpu.memory_space<vmem_shared>>
      %dma_wait3A_33 = arith.constant 0 : i32
      %dma_wait3A_34 = arith.constant 0 : i32
      %dma_wait3A_35 = tpu.memref_slice %arg9[%dma_wait3A_33, %dma_wait3A_34] : memref<400x128xf32, #tpu.memory_space<vmem>> -> memref<320x128xf32, #tpu.memory_space<vmem>>
      tpu.wait_dma2 semaphore(%run_scoped3A : memref<!tpu.dma_semaphore, #tpu.memory_space<semaphore_mem>>) src(%dma_wait3A_35 : memref<320x128xf32, #tpu.memory_space<vmem>>) dst(%dma_wait3A_32 : memref<320x128xf32, #tpu.memory_space<vmem_shared>>)
      tpu.yield
    }) : () -> ()
    %barrier3A = arith.constant 0 : index
    tpu.barrier barrier_id(%barrier3A)
    %mul3A_8 = arith.constant 5000 : i32
    %mul3A_9 = arith.muli %arg0, %mul3A_8 : i32
    %scan3A_10 = arith.constant 0 : i32
    %scan3A_11 = arith.constant 0 : i32
    %scan3A_12 = arith.constant 50 : i32
    %scan3A_13 = arith.addi %scan3A_11, %scan3A_12 : i32
    %scan3A_14 = arith.constant 1 : i32
    %scan3A_15 = scf.for %scan3A_18 = %scan3A_11 to %scan3A_13 step %scan3A_14 iter_args(%scan3A_19 = %scan3A_10) -> (i32)  : i32 {
      %mul3A_20 = arith.constant 20000 : i32
      %mul3A_21 = arith.muli %arg1, %mul3A_20 : i32
      %mul3A_22 = arith.constant 400 : i32
      %mul3A_23 = arith.muli %scan3A_18, %mul3A_22 : i32
      %add3A = arith.addi %mul3A_21, %mul3A_23 : i32
      "tpu.region"() ({
        %run_scoped3A = tpu.sem_alloc : memref<!tpu.dma_semaphore, #tpu.memory_space<semaphore_mem>>
        %dma_start3A_36 = tpu.memref_slice %arg3[%add3A] : memref<320000xi32, #tpu.memory_space<hbm>> -> memref<400xi32, #tpu.memory_space<hbm>>
        %dma_start3A_37 = tpu.memref_slice %arg3[%add3A] : memref<320000xi32, #tpu.memory_space<hbm>> -> memref<400xi32, #tpu.memory_space<hbm>>
        tpu.enqueue_dma source(%dma_start3A_37 : memref<400xi32, #tpu.memory_space<hbm>>) target(%arg6 : memref<400xi32, #tpu.memory_space<vmem>>) target_semaphore(%run_scoped3A : memref<!tpu.dma_semaphore, #tpu.memory_space<semaphore_mem>>)
        %dma_wait3A_38 = tpu.memref_slice %arg3[%add3A] : memref<320000xi32, #tpu.memory_space<hbm>> -> memref<400xi32, #tpu.memory_space<hbm>>
        %dma_wait3A_39 = tpu.memref_slice %arg3[%add3A] : memref<320000xi32, #tpu.memory_space<hbm>> -> memref<400xi32, #tpu.memory_space<hbm>>
        tpu.wait_dma2 semaphore(%run_scoped3A : memref<!tpu.dma_semaphore, #tpu.memory_space<semaphore_mem>>) src(%dma_wait3A_39 : memref<400xi32, #tpu.memory_space<hbm>>) dst(%arg6 : memref<400xi32, #tpu.memory_space<vmem>>)
        tpu.yield
      }) : () -> ()
      "tpu.region"() ({
        %run_scoped3A = tpu.sem_alloc : memref<!tpu.dma_semaphore, #tpu.memory_space<semaphore_mem>>
        %dma_start3A_36 = tpu.memref_slice %arg4[%add3A] : memref<320000xi32, #tpu.memory_space<hbm>> -> memref<400xi32, #tpu.memory_space<hbm>>
        %dma_start3A_37 = tpu.memref_slice %arg4[%add3A] : memref<320000xi32, #tpu.memory_space<hbm>> -> memref<400xi32, #tpu.memory_space<hbm>>
        tpu.enqueue_dma source(%dma_start3A_37 : memref<400xi32, #tpu.memory_space<hbm>>) target(%arg7 : memref<400xi32, #tpu.memory_space<vmem>>) target_semaphore(%run_scoped3A : memref<!tpu.dma_semaphore, #tpu.memory_space<semaphore_mem>>)
        %dma_wait3A_38 = tpu.memref_slice %arg4[%add3A] : memref<320000xi32, #tpu.memory_space<hbm>> -> memref<400xi32, #tpu.memory_space<hbm>>
        %dma_wait3A_39 = tpu.memref_slice %arg4[%add3A] : memref<320000xi32, #tpu.memory_space<hbm>> -> memref<400xi32, #tpu.memory_space<hbm>>
        tpu.wait_dma2 semaphore(%run_scoped3A : memref<!tpu.dma_semaphore, #tpu.memory_space<semaphore_mem>>) src(%dma_wait3A_39 : memref<400xi32, #tpu.memory_space<hbm>>) dst(%arg7 : memref<400xi32, #tpu.memory_space<vmem>>)
        tpu.yield
      }) : () -> ()
      %scan3A_24 = arith.constant 0 : i32
      %scan3A_25 = arith.constant 0 : i32
      %scan3A_26 = arith.constant 25 : i32
      %scan3A_27 = arith.addi %scan3A_25, %scan3A_26 : i32
      %scan3A_28 = arith.constant 1 : i32
      %scan3A_29 = scf.for %scan3A_36 = %scan3A_25 to %scan3A_27 step %scan3A_28 iter_args(%scan3A_37 = %scan3A_24) -> (i32)  : i32 {
        %mul3A_38 = arith.constant 16 : i32
        %mul3A_39 = arith.muli %scan3A_36, %mul3A_38 : i32
        %get3A = arith.index_cast %mul3A_39 : i32 to index
        %get3A_40 = tpu.vector_load %arg7[%get3A] {strides = array<i32>} : memref<400xi32, #tpu.memory_space<vmem>>, vector<16xi32>,
        %get3A_41 = vector.shape_cast %get3A_40 : vector<16xi32> to vector<16xi32>
        %sub3A = vector.broadcast %mul3A_9 : i32 to vector<16xi32>
        %sub3A_42 = arith.subi %get3A_41, %sub3A : vector<16xi32>
        %ge3A = arith.constant 0 : i32
        %ge3A_43 = vector.broadcast %ge3A : i32 to vector<16xi32>
        %ge3A_44 = arith.cmpi sge, %sub3A_42, %ge3A_43 : vector<16xi32>
        %lt3A = arith.constant 5000 : i32
        %lt3A_45 = vector.broadcast %lt3A : i32 to vector<16xi32>
        %lt3A_46 = arith.cmpi slt, %sub3A_42, %lt3A_45 : vector<16xi32>
        %and3A = arith.andi %ge3A_44, %lt3A_46 : vector<16xi1>
        %jit3A = arith.constant 5119 : i32
        %broadcast_in_dim3A_47 = vector.broadcast %jit3A : i32 to vector<16xi32>
        %select_n3A = arith.select %and3A, %sub3A_42, %broadcast_in_dim3A_47 : vector<16xi1>, vector<16xi32>
        %mul3A_48 = arith.constant 16 : i32
        %mul3A_49 = arith.muli %scan3A_36, %mul3A_48 : i32
        %swap3A = arith.index_cast %mul3A_49 : i32 to index
        %swap3A_50 = tpu.vector_load %arg8[%swap3A] {strides = array<i32>} : memref<400xi32, #tpu.memory_space<vmem>>, vector<16xi32>,
        %swap3A_51 = vector.shape_cast %swap3A_50 : vector<16xi32> to vector<16xi32>
        %swap3A_52 = vector.shape_cast %select_n3A : vector<16xi32> to vector<16xi32>
        tpu.vector_store %arg8[%swap3A], %swap3A_52 {strides = array<i32>} : memref<400xi32, #tpu.memory_space<vmem>>, vector<16xi32>,
        %scan3A_53 = arith.constant 0 : i32
        scf.yield %scan3A_53 : i32
      }
      %scan3A_30 = arith.constant 25 : i32
      %dma_start3A = arith.constant 0 : i32
      %dma_start3A_31 = arith.constant 0 : i32
      %dma_start3A_32 = tpu.memref_slice %arg2[%dma_start3A, %dma_start3A_31] : memref<10000x128xf32, #tpu.memory_space<hbm>> -> memref<10000x128xf32, #tpu.memory_space<hbm>>
      tpu.enqueue_indirect_dma source(%dma_start3A_32 : memref<10000x128xf32, #tpu.memory_space<hbm>>) target(%arg9 : memref<400x128xf32, #tpu.memory_space<vmem>>) offsets(%arg6 : memref<400xi32, #tpu.memory_space<vmem>>) semaphore(%arg10 : memref<!tpu.dma_semaphore, #tpu.memory_space<semaphore_mem>>)
      %dma_wait3A = arith.constant 0 : i32
      %dma_wait3A_33 = arith.constant 0 : i32
      %dma_wait3A_34 = tpu.memref_slice %arg2[%dma_wait3A, %dma_wait3A_33] : memref<10000x128xf32, #tpu.memory_space<hbm>> -> memref<10000x128xf32, #tpu.memory_space<hbm>>
      tpu.wait_indirect_dma semaphore(%arg10 : memref<!tpu.dma_semaphore, #tpu.memory_space<semaphore_mem>>) src(%dma_wait3A_34 : memref<10000x128xf32, #tpu.memory_space<hbm>>) dst(%arg9 : memref<400x128xf32, #tpu.memory_space<vmem>>)
      "tpu.region"() ({
        %run_scoped3A = tpu.sem_alloc : memref<!tpu.dma_semaphore, #tpu.memory_space<semaphore_mem>>
        %dma_start3A_36 = arith.constant 0 : i32
        %dma_start3A_37 = arith.constant 0 : i32
        %dma_start3A_38 = tpu.memref_slice %arg11[%dma_start3A_36, %dma_start3A_37] : memref<5120x128xf32, #tpu.memory_space<vmem_shared>> -> memref<5120x128xf32, #tpu.memory_space<vmem_shared>>
        tpu.enqueue_indirect_dma source(%arg9 : memref<400x128xf32, #tpu.memory_space<vmem>>) target(%dma_start3A_38 : memref<5120x128xf32, #tpu.memory_space<vmem_shared>>) offsets(%arg8 : memref<400xi32, #tpu.memory_space<vmem>>) semaphore(%run_scoped3A : memref<!tpu.dma_semaphore, #tpu.memory_space<semaphore_mem>>) {add = true}
        %dma_wait3A_39 = arith.constant 0 : i32
        %dma_wait3A_40 = arith.constant 0 : i32
        %dma_wait3A_41 = tpu.memref_slice %arg11[%dma_wait3A_39, %dma_wait3A_40] : memref<5120x128xf32, #tpu.memory_space<vmem_shared>> -> memref<5120x128xf32, #tpu.memory_space<vmem_shared>>
        tpu.wait_indirect_dma semaphore(%run_scoped3A : memref<!tpu.dma_semaphore, #tpu.memory_space<semaphore_mem>>) src(%arg9 : memref<400x128xf32, #tpu.memory_space<vmem>>) dst(%dma_wait3A_41 : memref<5120x128xf32, #tpu.memory_space<vmem_shared>>)
        tpu.yield
      }) : () -> ()
      %scan3A_35 = arith.constant 0 : i32
      scf.yield %scan3A_35 : i32
    }
    %scan3A_16 = arith.constant 50 : i32
    %barrier3A_17 = arith.constant 0 : index
    tpu.barrier barrier_id(%barrier3A_17)
    "tpu.region"() ({
      %run_scoped3A = tpu.sem_alloc : memref<!tpu.dma_semaphore, #tpu.memory_space<semaphore_mem>>
      %dma_start3A = arith.constant 0 : i32
      %dma_start3A_18 = tpu.memref_slice %arg5[%arg0, %mul3A_0, %dma_start3A] : memref<2x5120x128xf32, #tpu.memory_space<hbm>> -> memref<1x320x128xf32, #tpu.memory_space<hbm>>
      %dma_start3A_19 = tpu.memref_squeeze %dma_start3A_18 : memref<1x320x128xf32, #tpu.memory_space<hbm>> -> memref<320x128xf32, #tpu.memory_space<hbm>>
      %dma_start3A_20 = arith.constant 0 : i32
      %dma_start3A_21 = tpu.memref_slice %arg11[%mul3A_0, %dma_start3A_20] : memref<5120x128xf32, #tpu.memory_space<vmem_shared>> -> memref<320x128xf32, #tpu.memory_space<vmem_shared>>
      tpu.enqueue_dma source(%dma_start3A_21 : memref<320x128xf32, #tpu.memory_space<vmem_shared>>) target(%dma_start3A_19 : memref<320x128xf32, #tpu.memory_space<hbm>>) target_semaphore(%run_scoped3A : memref<!tpu.dma_semaphore, #tpu.memory_space<semaphore_mem>>)
      %dma_wait3A = arith.constant 0 : i32
      %dma_wait3A_22 = tpu.memref_slice %arg5[%arg0, %mul3A_0, %dma_wait3A] : memref<2x5120x128xf32, #tpu.memory_space<hbm>> -> memref<1x320x128xf32, #tpu.memory_space<hbm>>
      %dma_wait3A_23 = tpu.memref_squeeze %dma_wait3A_22 : memref<1x320x128xf32, #tpu.memory_space<hbm>> -> memref<320x128xf32, #tpu.memory_space<hbm>>
      %dma_wait3A_24 = arith.constant 0 : i32
      %dma_wait3A_25 = tpu.memref_slice %arg11[%mul3A_0, %dma_wait3A_24] : memref<5120x128xf32, #tpu.memory_space<vmem_shared>> -> memref<320x128xf32, #tpu.memory_space<vmem_shared>>
      tpu.wait_dma2 semaphore(%run_scoped3A : memref<!tpu.dma_semaphore, #tpu.memory_space<semaphore_mem>>) src(%dma_wait3A_25 : memref<320x128xf32, #tpu.memory_space<vmem_shared>>) dst(%dma_wait3A_23 : memref<320x128xf32, #tpu.memory_space<hbm>>)
      tpu.yield
    }) : () -> ()
    return
  }
}

#map = affine_map<(d0, d1) -> (0)>
#map1 = affine_map<(d0, d1) -> (0, 0, 0)>
module attributes {stable_mosaic.version = 14 : i64} {
  func.func @_deg_kernel(%arg0: i32, %arg1: i32, %arg2: memref<320000xi32, #tpu.memory_space<hbm>>, %arg3: memref<2x5120x16xf32, #tpu.memory_space<hbm>>, %arg4: memref<400xi32, #tpu.memory_space<vmem>>, %arg5: memref<400xi32, #tpu.memory_space<vmem>>, %arg6: memref<400x16xf32, #tpu.memory_space<vmem>>, %arg7: memref<5120x16xf32, #tpu.memory_space<vmem_shared>>) attributes {dimension_semantics = [#tpu.dimension_semantics<core_parallel>, #tpu.dimension_semantics<subcore_parallel>], iteration_bounds = array<i64: 2, 16>, scalar_prefetch = 0 : i64, scratch_operands = 4 : i64, tpu.core_type = #tpu.core_type<sc_vector_subcore>, window_params = [{transform_indices = #map}, {transform_indices = #map1}]} {
    %mul3A = arith.constant 320 : i32
    %mul3A_0 = arith.muli %arg1, %mul3A : i32
    %broadcast_in_dim3A = arith.constant 1.000000e+00 : f32
    %broadcast_in_dim3A_1 = vector.broadcast %broadcast_in_dim3A : f32 to vector<16xf32>
    %scan3A = arith.constant 0 : i32
    %scan3A_2 = arith.constant 0 : i32
    %scan3A_3 = arith.constant 400 : i32
    %scan3A_4 = arith.addi %scan3A_2, %scan3A_3 : i32
    %scan3A_5 = arith.constant 1 : i32
    %scan3A_6 = scf.for %scan3A_25 = %scan3A_2 to %scan3A_4 step %scan3A_5 iter_args(%scan3A_26 = %scan3A) -> (i32)  : i32 {
      %broadcast_in_dim3A_27 = arith.constant 0.000000e+00 : f32
      %broadcast_in_dim3A_28 = vector.broadcast %broadcast_in_dim3A_27 : f32 to vector<16xf32>
      %swap3A = arith.index_cast %scan3A_25 : i32 to index
      %swap3A_29 = arith.constant 0 : index
      %swap3A_30 = tpu.vector_load %arg6[%swap3A, %swap3A_29] {strides = array<i32>} : memref<400x16xf32, #tpu.memory_space<vmem>>, vector<1x16xf32>,
      %swap3A_31 = vector.shape_cast %swap3A_30 : vector<1x16xf32> to vector<16xf32>
      %swap3A_32 = vector.shape_cast %broadcast_in_dim3A_28 : vector<16xf32> to vector<1x16xf32>
      tpu.vector_store %arg6[%swap3A, %swap3A_29], %swap3A_32 {strides = array<i32>} : memref<400x16xf32, #tpu.memory_space<vmem>>, vector<1x16xf32>,
      %scan3A_33 = arith.constant 0 : i32
      scf.yield %scan3A_33 : i32
    }
    %scan3A_7 = arith.constant 400 : i32
    "tpu.region"() ({
      %run_scoped3A = tpu.sem_alloc : memref<!tpu.dma_semaphore, #tpu.memory_space<semaphore_mem>>
      %dma_start3A = arith.constant 0 : i32
      %dma_start3A_25 = arith.constant 0 : i32
      %dma_start3A_26 = tpu.memref_slice %arg6[%dma_start3A, %dma_start3A_25] : memref<400x16xf32, #tpu.memory_space<vmem>> -> memref<320x16xf32, #tpu.memory_space<vmem>>
      %dma_start3A_27 = arith.constant 0 : i32
      %dma_start3A_28 = tpu.memref_slice %arg7[%mul3A_0, %dma_start3A_27] : memref<5120x16xf32, #tpu.memory_space<vmem_shared>> -> memref<320x16xf32, #tpu.memory_space<vmem_shared>>
      %dma_start3A_29 = arith.constant 0 : i32
      %dma_start3A_30 = tpu.memref_slice %arg7[%mul3A_0, %dma_start3A_29] : memref<5120x16xf32, #tpu.memory_space<vmem_shared>> -> memref<320x16xf32, #tpu.memory_space<vmem_shared>>
      %dma_start3A_31 = arith.constant 0 : i32
      %dma_start3A_32 = arith.constant 0 : i32
      %dma_start3A_33 = tpu.memref_slice %arg6[%dma_start3A_31, %dma_start3A_32] : memref<400x16xf32, #tpu.memory_space<vmem>> -> memref<320x16xf32, #tpu.memory_space<vmem>>
      tpu.enqueue_dma source(%dma_start3A_33 : memref<320x16xf32, #tpu.memory_space<vmem>>) target(%dma_start3A_30 : memref<320x16xf32, #tpu.memory_space<vmem_shared>>) target_semaphore(%run_scoped3A : memref<!tpu.dma_semaphore, #tpu.memory_space<semaphore_mem>>)
      %dma_wait3A = arith.constant 0 : i32
      %dma_wait3A_34 = arith.constant 0 : i32
      %dma_wait3A_35 = tpu.memref_slice %arg6[%dma_wait3A, %dma_wait3A_34] : memref<400x16xf32, #tpu.memory_space<vmem>> -> memref<320x16xf32, #tpu.memory_space<vmem>>
      %dma_wait3A_36 = arith.constant 0 : i32
      %dma_wait3A_37 = tpu.memref_slice %arg7[%mul3A_0, %dma_wait3A_36] : memref<5120x16xf32, #tpu.memory_space<vmem_shared>> -> memref<320x16xf32, #tpu.memory_space<vmem_shared>>
      %dma_wait3A_38 = arith.constant 0 : i32
      %dma_wait3A_39 = tpu.memref_slice %arg7[%mul3A_0, %dma_wait3A_38] : memref<5120x16xf32, #tpu.memory_space<vmem_shared>> -> memref<320x16xf32, #tpu.memory_space<vmem_shared>>
      %dma_wait3A_40 = arith.constant 0 : i32
      %dma_wait3A_41 = arith.constant 0 : i32
      %dma_wait3A_42 = tpu.memref_slice %arg6[%dma_wait3A_40, %dma_wait3A_41] : memref<400x16xf32, #tpu.memory_space<vmem>> -> memref<320x16xf32, #tpu.memory_space<vmem>>
      tpu.wait_dma2 semaphore(%run_scoped3A : memref<!tpu.dma_semaphore, #tpu.memory_space<semaphore_mem>>) src(%dma_wait3A_42 : memref<320x16xf32, #tpu.memory_space<vmem>>) dst(%dma_wait3A_39 : memref<320x16xf32, #tpu.memory_space<vmem_shared>>)
      tpu.yield
    }) : () -> ()
    %scan3A_8 = arith.constant 0 : i32
    %scan3A_9 = arith.constant 0 : i32
    %scan3A_10 = arith.constant 400 : i32
    %scan3A_11 = arith.addi %scan3A_9, %scan3A_10 : i32
    %scan3A_12 = arith.constant 1 : i32
    %scan3A_13 = scf.for %scan3A_25 = %scan3A_9 to %scan3A_11 step %scan3A_12 iter_args(%scan3A_26 = %scan3A_8) -> (i32)  : i32 {
      %swap3A = arith.index_cast %scan3A_25 : i32 to index
      %swap3A_27 = arith.constant 0 : index
      %swap3A_28 = tpu.vector_load %arg6[%swap3A, %swap3A_27] {strides = array<i32>} : memref<400x16xf32, #tpu.memory_space<vmem>>, vector<1x16xf32>,
      %swap3A_29 = vector.shape_cast %swap3A_28 : vector<1x16xf32> to vector<16xf32>
      %swap3A_30 = vector.shape_cast %broadcast_in_dim3A_1 : vector<16xf32> to vector<1x16xf32>
      tpu.vector_store %arg6[%swap3A, %swap3A_27], %swap3A_30 {strides = array<i32>} : memref<400x16xf32, #tpu.memory_space<vmem>>, vector<1x16xf32>,
      %scan3A_31 = arith.constant 0 : i32
      scf.yield %scan3A_31 : i32
    }
    %scan3A_14 = arith.constant 400 : i32
    %barrier3A = arith.constant 0 : index
    tpu.barrier barrier_id(%barrier3A)
    %mul3A_15 = arith.constant 5000 : i32
    %mul3A_16 = arith.muli %arg0, %mul3A_15 : i32
    %scan3A_17 = arith.constant 0 : i32
    %scan3A_18 = arith.constant 0 : i32
    %scan3A_19 = arith.constant 50 : i32
    %scan3A_20 = arith.addi %scan3A_18, %scan3A_19 : i32
    %scan3A_21 = arith.constant 1 : i32
    %scan3A_22 = scf.for %scan3A_25 = %scan3A_18 to %scan3A_20 step %scan3A_21 iter_args(%scan3A_26 = %scan3A_17) -> (i32)  : i32 {
      %mul3A_27 = arith.constant 20000 : i32
      %mul3A_28 = arith.muli %arg1, %mul3A_27 : i32
      %mul3A_29 = arith.constant 400 : i32
      %mul3A_30 = arith.muli %scan3A_25, %mul3A_29 : i32
      %add3A = arith.addi %mul3A_28, %mul3A_30 : i32
      "tpu.region"() ({
        %run_scoped3A = tpu.sem_alloc : memref<!tpu.dma_semaphore, #tpu.memory_space<semaphore_mem>>
        %dma_start3A = tpu.memref_slice %arg2[%add3A] : memref<320000xi32, #tpu.memory_space<hbm>> -> memref<400xi32, #tpu.memory_space<hbm>>
        %dma_start3A_39 = tpu.memref_slice %arg2[%add3A] : memref<320000xi32, #tpu.memory_space<hbm>> -> memref<400xi32, #tpu.memory_space<hbm>>
        tpu.enqueue_dma source(%dma_start3A_39 : memref<400xi32, #tpu.memory_space<hbm>>) target(%arg4 : memref<400xi32, #tpu.memory_space<vmem>>) target_semaphore(%run_scoped3A : memref<!tpu.dma_semaphore, #tpu.memory_space<semaphore_mem>>)
        %dma_wait3A = tpu.memref_slice %arg2[%add3A] : memref<320000xi32, #tpu.memory_space<hbm>> -> memref<400xi32, #tpu.memory_space<hbm>>
        %dma_wait3A_40 = tpu.memref_slice %arg2[%add3A] : memref<320000xi32, #tpu.memory_space<hbm>> -> memref<400xi32, #tpu.memory_space<hbm>>
        tpu.wait_dma2 semaphore(%run_scoped3A : memref<!tpu.dma_semaphore, #tpu.memory_space<semaphore_mem>>) src(%dma_wait3A_40 : memref<400xi32, #tpu.memory_space<hbm>>) dst(%arg4 : memref<400xi32, #tpu.memory_space<vmem>>)
        tpu.yield
      }) : () -> ()
      %scan3A_31 = arith.constant 0 : i32
      %scan3A_32 = arith.constant 0 : i32
      %scan3A_33 = arith.constant 25 : i32
      %scan3A_34 = arith.addi %scan3A_32, %scan3A_33 : i32
      %scan3A_35 = arith.constant 1 : i32
      %scan3A_36 = scf.for %scan3A_39 = %scan3A_32 to %scan3A_34 step %scan3A_35 iter_args(%scan3A_40 = %scan3A_31) -> (i32)  : i32 {
        %mul3A_41 = arith.constant 16 : i32
        %mul3A_42 = arith.muli %scan3A_39, %mul3A_41 : i32
        %get3A = arith.index_cast %mul3A_42 : i32 to index
        %get3A_43 = tpu.vector_load %arg4[%get3A] {strides = array<i32>} : memref<400xi32, #tpu.memory_space<vmem>>, vector<16xi32>,
        %get3A_44 = vector.shape_cast %get3A_43 : vector<16xi32> to vector<16xi32>
        %sub3A = vector.broadcast %mul3A_16 : i32 to vector<16xi32>
        %sub3A_45 = arith.subi %get3A_44, %sub3A : vector<16xi32>
        %ge3A = arith.constant 0 : i32
        %ge3A_46 = vector.broadcast %ge3A : i32 to vector<16xi32>
        %ge3A_47 = arith.cmpi sge, %sub3A_45, %ge3A_46 : vector<16xi32>
        %lt3A = arith.constant 5000 : i32
        %lt3A_48 = vector.broadcast %lt3A : i32 to vector<16xi32>
        %lt3A_49 = arith.cmpi slt, %sub3A_45, %lt3A_48 : vector<16xi32>
        %and3A = arith.andi %ge3A_47, %lt3A_49 : vector<16xi1>
        %jit3A = arith.constant 5119 : i32
        %broadcast_in_dim3A_50 = vector.broadcast %jit3A : i32 to vector<16xi32>
        %select_n3A = arith.select %and3A, %sub3A_45, %broadcast_in_dim3A_50 : vector<16xi1>, vector<16xi32>
        %mul3A_51 = arith.constant 16 : i32
        %mul3A_52 = arith.muli %scan3A_39, %mul3A_51 : i32
        %swap3A = arith.index_cast %mul3A_52 : i32 to index
        %swap3A_53 = tpu.vector_load %arg5[%swap3A] {strides = array<i32>} : memref<400xi32, #tpu.memory_space<vmem>>, vector<16xi32>,
        %swap3A_54 = vector.shape_cast %swap3A_53 : vector<16xi32> to vector<16xi32>
        %swap3A_55 = vector.shape_cast %select_n3A : vector<16xi32> to vector<16xi32>
        tpu.vector_store %arg5[%swap3A], %swap3A_55 {strides = array<i32>} : memref<400xi32, #tpu.memory_space<vmem>>, vector<16xi32>,
        %scan3A_56 = arith.constant 0 : i32
        scf.yield %scan3A_56 : i32
      }
      %scan3A_37 = arith.constant 25 : i32
      "tpu.region"() ({
        %run_scoped3A = tpu.sem_alloc : memref<!tpu.dma_semaphore, #tpu.memory_space<semaphore_mem>>
        %dma_start3A = arith.constant 0 : i32
        %dma_start3A_39 = arith.constant 0 : i32
        %dma_start3A_40 = tpu.memref_slice %arg7[%dma_start3A, %dma_start3A_39] : memref<5120x16xf32, #tpu.memory_space<vmem_shared>> -> memref<5120x16xf32, #tpu.memory_space<vmem_shared>>
        tpu.enqueue_indirect_dma source(%arg6 : memref<400x16xf32, #tpu.memory_space<vmem>>) target(%dma_start3A_40 : memref<5120x16xf32, #tpu.memory_space<vmem_shared>>) offsets(%arg5 : memref<400xi32, #tpu.memory_space<vmem>>) semaphore(%run_scoped3A : memref<!tpu.dma_semaphore, #tpu.memory_space<semaphore_mem>>) {add = true}
        %dma_wait3A = arith.constant 0 : i32
        %dma_wait3A_41 = arith.constant 0 : i32
        %dma_wait3A_42 = tpu.memref_slice %arg7[%dma_wait3A, %dma_wait3A_41] : memref<5120x16xf32, #tpu.memory_space<vmem_shared>> -> memref<5120x16xf32, #tpu.memory_space<vmem_shared>>
        tpu.wait_indirect_dma semaphore(%run_scoped3A : memref<!tpu.dma_semaphore, #tpu.memory_space<semaphore_mem>>) src(%arg6 : memref<400x16xf32, #tpu.memory_space<vmem>>) dst(%dma_wait3A_42 : memref<5120x16xf32, #tpu.memory_space<vmem_shared>>)
        tpu.yield
      }) : () -> ()
      %scan3A_38 = arith.constant 0 : i32
      scf.yield %scan3A_38 : i32
    }
    %scan3A_23 = arith.constant 50 : i32
    %barrier3A_24 = arith.constant 0 : index
    tpu.barrier barrier_id(%barrier3A_24)
    "tpu.region"() ({
      %run_scoped3A = tpu.sem_alloc : memref<!tpu.dma_semaphore, #tpu.memory_space<semaphore_mem>>
      %dma_start3A = arith.constant 0 : i32
      %dma_start3A_25 = tpu.memref_slice %arg3[%arg0, %mul3A_0, %dma_start3A] : memref<2x5120x16xf32, #tpu.memory_space<hbm>> -> memref<1x320x16xf32, #tpu.memory_space<hbm>>
      %dma_start3A_26 = tpu.memref_squeeze %dma_start3A_25 : memref<1x320x16xf32, #tpu.memory_space<hbm>> -> memref<320x16xf32, #tpu.memory_space<hbm>>
      %dma_start3A_27 = arith.constant 0 : i32
      %dma_start3A_28 = tpu.memref_slice %arg7[%mul3A_0, %dma_start3A_27] : memref<5120x16xf32, #tpu.memory_space<vmem_shared>> -> memref<320x16xf32, #tpu.memory_space<vmem_shared>>
      tpu.enqueue_dma source(%dma_start3A_28 : memref<320x16xf32, #tpu.memory_space<vmem_shared>>) target(%dma_start3A_26 : memref<320x16xf32, #tpu.memory_space<hbm>>) target_semaphore(%run_scoped3A : memref<!tpu.dma_semaphore, #tpu.memory_space<semaphore_mem>>)
      %dma_wait3A = arith.constant 0 : i32
      %dma_wait3A_29 = tpu.memref_slice %arg3[%arg0, %mul3A_0, %dma_wait3A] : memref<2x5120x16xf32, #tpu.memory_space<hbm>> -> memref<1x320x16xf32, #tpu.memory_space<hbm>>
      %dma_wait3A_30 = tpu.memref_squeeze %dma_wait3A_29 : memref<1x320x16xf32, #tpu.memory_space<hbm>> -> memref<320x16xf32, #tpu.memory_space<hbm>>
      %dma_wait3A_31 = arith.constant 0 : i32
      %dma_wait3A_32 = tpu.memref_slice %arg7[%mul3A_0, %dma_wait3A_31] : memref<5120x16xf32, #tpu.memory_space<vmem_shared>> -> memref<320x16xf32, #tpu.memory_space<vmem_shared>>
      tpu.wait_dma2 semaphore(%run_scoped3A : memref<!tpu.dma_semaphore, #tpu.memory_space<semaphore_mem>>) src(%dma_wait3A_32 : memref<320x16xf32, #tpu.memory_space<vmem_shared>>) dst(%dma_wait3A_30 : memref<320x16xf32, #tpu.memory_space<hbm>>)
      tpu.yield
    }) : () -> ()
    return
  }
}

#map = affine_map<(d0, d1) -> (0, 0)>
#map1 = affine_map<(d0, d1) -> (0)>
#map2 = affine_map<(d0, d1) -> (0, 0, 0)>
module attributes {stable_mosaic.version = 14 : i64} {
  func.func @_agg2_kernel(%arg0: i32, %arg1: i32, %arg2: memref<10000x128xf32, #tpu.memory_space<hbm>>, %arg3: memref<320000xi32, #tpu.memory_space<hbm>>, %arg4: memref<320000xi32, #tpu.memory_space<hbm>>, %arg5: memref<2x5120x128xf32, #tpu.memory_space<hbm>>, %arg6: memref<400xi32, #tpu.memory_space<vmem>>, %arg7: memref<400xi32, #tpu.memory_space<vmem>>, %arg8: memref<400xi32, #tpu.memory_space<vmem>>, %arg9: memref<400x128xf32, #tpu.memory_space<vmem>>, %arg10: memref<!tpu.dma_semaphore, #tpu.memory_space<semaphore_mem>>, %arg11: memref<5120x128xf32, #tpu.memory_space<vmem_shared>>) attributes {dimension_semantics = [#tpu.dimension_semantics<core_parallel>, #tpu.dimension_semantics<subcore_parallel>], iteration_bounds = array<i64: 2, 16>, scalar_prefetch = 0 : i64, scratch_operands = 6 : i64, tpu.core_type = #tpu.core_type<sc_vector_subcore>, window_params = [{transform_indices = #map}, {transform_indices = #map1}, {transform_indices = #map1}, {transform_indices = #map2}]} {
    %mul3A = arith.constant 320 : i32
    %mul3A_0 = arith.muli %arg1, %mul3A : i32
    %broadcast_in_dim3A = arith.constant 0.000000e+00 : f32
    %broadcast_in_dim3A_1 = vector.broadcast %broadcast_in_dim3A : f32 to vector<16xf32>
    %scan3A = arith.constant 0 : i32
    %scan3A_2 = arith.constant 0 : i32
    %scan3A_3 = arith.constant 320 : i32
    %scan3A_4 = arith.addi %scan3A_2, %scan3A_3 : i32
    %scan3A_5 = arith.constant 1 : i32
    %scan3A_6 = scf.for %scan3A_18 = %scan3A_2 to %scan3A_4 step %scan3A_5 iter_args(%scan3A_19 = %scan3A) -> (i32)  : i32 {
      %swap3A = arith.index_cast %scan3A_18 : i32 to index
      %swap3A_20 = arith.constant 0 : index
      %swap3A_21 = tpu.vector_load %arg9[%swap3A, %swap3A_20] {strides = array<i32>} : memref<400x128xf32, #tpu.memory_space<vmem>>, vector<1x16xf32>,
      %swap3A_22 = vector.shape_cast %swap3A_21 : vector<1x16xf32> to vector<16xf32>
      %swap3A_23 = vector.shape_cast %broadcast_in_dim3A_1 : vector<16xf32> to vector<1x16xf32>
      tpu.vector_store %arg9[%swap3A, %swap3A_20], %swap3A_23 {strides = array<i32>} : memref<400x128xf32, #tpu.memory_space<vmem>>, vector<1x16xf32>,
      %swap3A_24 = arith.index_cast %scan3A_18 : i32 to index
      %swap3A_25 = arith.constant 16 : index
      %swap3A_26 = tpu.vector_load %arg9[%swap3A_24, %swap3A_25] {strides = array<i32>} : memref<400x128xf32, #tpu.memory_space<vmem>>, vector<1x16xf32>,
      %swap3A_27 = vector.shape_cast %swap3A_26 : vector<1x16xf32> to vector<16xf32>
      %swap3A_28 = vector.shape_cast %broadcast_in_dim3A_1 : vector<16xf32> to vector<1x16xf32>
      tpu.vector_store %arg9[%swap3A_24, %swap3A_25], %swap3A_28 {strides = array<i32>} : memref<400x128xf32, #tpu.memory_space<vmem>>, vector<1x16xf32>,
      %swap3A_29 = arith.index_cast %scan3A_18 : i32 to index
      %swap3A_30 = arith.constant 32 : index
      %swap3A_31 = tpu.vector_load %arg9[%swap3A_29, %swap3A_30] {strides = array<i32>} : memref<400x128xf32, #tpu.memory_space<vmem>>, vector<1x16xf32>,
      %swap3A_32 = vector.shape_cast %swap3A_31 : vector<1x16xf32> to vector<16xf32>
      %swap3A_33 = vector.shape_cast %broadcast_in_dim3A_1 : vector<16xf32> to vector<1x16xf32>
      tpu.vector_store %arg9[%swap3A_29, %swap3A_30], %swap3A_33 {strides = array<i32>} : memref<400x128xf32, #tpu.memory_space<vmem>>, vector<1x16xf32>,
      %swap3A_34 = arith.index_cast %scan3A_18 : i32 to index
      %swap3A_35 = arith.constant 48 : index
      %swap3A_36 = tpu.vector_load %arg9[%swap3A_34, %swap3A_35] {strides = array<i32>} : memref<400x128xf32, #tpu.memory_space<vmem>>, vector<1x16xf32>,
      %swap3A_37 = vector.shape_cast %swap3A_36 : vector<1x16xf32> to vector<16xf32>
      %swap3A_38 = vector.shape_cast %broadcast_in_dim3A_1 : vector<16xf32> to vector<1x16xf32>
      tpu.vector_store %arg9[%swap3A_34, %swap3A_35], %swap3A_38 {strides = array<i32>} : memref<400x128xf32, #tpu.memory_space<vmem>>, vector<1x16xf32>,
      %swap3A_39 = arith.index_cast %scan3A_18 : i32 to index
      %swap3A_40 = arith.constant 64 : index
      %swap3A_41 = tpu.vector_load %arg9[%swap3A_39, %swap3A_40] {strides = array<i32>} : memref<400x128xf32, #tpu.memory_space<vmem>>, vector<1x16xf32>,
      %swap3A_42 = vector.shape_cast %swap3A_41 : vector<1x16xf32> to vector<16xf32>
      %swap3A_43 = vector.shape_cast %broadcast_in_dim3A_1 : vector<16xf32> to vector<1x16xf32>
      tpu.vector_store %arg9[%swap3A_39, %swap3A_40], %swap3A_43 {strides = array<i32>} : memref<400x128xf32, #tpu.memory_space<vmem>>, vector<1x16xf32>,
      %swap3A_44 = arith.index_cast %scan3A_18 : i32 to index
      %swap3A_45 = arith.constant 80 : index
      %swap3A_46 = tpu.vector_load %arg9[%swap3A_44, %swap3A_45] {strides = array<i32>} : memref<400x128xf32, #tpu.memory_space<vmem>>, vector<1x16xf32>,
      %swap3A_47 = vector.shape_cast %swap3A_46 : vector<1x16xf32> to vector<16xf32>
      %swap3A_48 = vector.shape_cast %broadcast_in_dim3A_1 : vector<16xf32> to vector<1x16xf32>
      tpu.vector_store %arg9[%swap3A_44, %swap3A_45], %swap3A_48 {strides = array<i32>} : memref<400x128xf32, #tpu.memory_space<vmem>>, vector<1x16xf32>,
      %swap3A_49 = arith.index_cast %scan3A_18 : i32 to index
      %swap3A_50 = arith.constant 96 : index
      %swap3A_51 = tpu.vector_load %arg9[%swap3A_49, %swap3A_50] {strides = array<i32>} : memref<400x128xf32, #tpu.memory_space<vmem>>, vector<1x16xf32>,
      %swap3A_52 = vector.shape_cast %swap3A_51 : vector<1x16xf32> to vector<16xf32>
      %swap3A_53 = vector.shape_cast %broadcast_in_dim3A_1 : vector<16xf32> to vector<1x16xf32>
      tpu.vector_store %arg9[%swap3A_49, %swap3A_50], %swap3A_53 {strides = array<i32>} : memref<400x128xf32, #tpu.memory_space<vmem>>, vector<1x16xf32>,
      %swap3A_54 = arith.index_cast %scan3A_18 : i32 to index
      %swap3A_55 = arith.constant 112 : index
      %swap3A_56 = tpu.vector_load %arg9[%swap3A_54, %swap3A_55] {strides = array<i32>} : memref<400x128xf32, #tpu.memory_space<vmem>>, vector<1x16xf32>,
      %swap3A_57 = vector.shape_cast %swap3A_56 : vector<1x16xf32> to vector<16xf32>
      %swap3A_58 = vector.shape_cast %broadcast_in_dim3A_1 : vector<16xf32> to vector<1x16xf32>
      tpu.vector_store %arg9[%swap3A_54, %swap3A_55], %swap3A_58 {strides = array<i32>} : memref<400x128xf32, #tpu.memory_space<vmem>>, vector<1x16xf32>,
      %scan3A_59 = arith.constant 0 : i32
      scf.yield %scan3A_59 : i32
    }
    %scan3A_7 = arith.constant 320 : i32
    "tpu.region"() ({
      %run_scoped3A = tpu.sem_alloc : memref<!tpu.dma_semaphore, #tpu.memory_space<semaphore_mem>>
      %dma_start3A = arith.constant 0 : i32
      %dma_start3A_18 = arith.constant 0 : i32
      %dma_start3A_19 = tpu.memref_slice %arg9[%dma_start3A, %dma_start3A_18] : memref<400x128xf32, #tpu.memory_space<vmem>> -> memref<320x128xf32, #tpu.memory_space<vmem>>
      %dma_start3A_20 = arith.constant 0 : i32
      %dma_start3A_21 = tpu.memref_slice %arg11[%mul3A_0, %dma_start3A_20] : memref<5120x128xf32, #tpu.memory_space<vmem_shared>> -> memref<320x128xf32, #tpu.memory_space<vmem_shared>>
      %dma_start3A_22 = arith.constant 0 : i32
      %dma_start3A_23 = tpu.memref_slice %arg11[%mul3A_0, %dma_start3A_22] : memref<5120x128xf32, #tpu.memory_space<vmem_shared>> -> memref<320x128xf32, #tpu.memory_space<vmem_shared>>
      %dma_start3A_24 = arith.constant 0 : i32
      %dma_start3A_25 = arith.constant 0 : i32
      %dma_start3A_26 = tpu.memref_slice %arg9[%dma_start3A_24, %dma_start3A_25] : memref<400x128xf32, #tpu.memory_space<vmem>> -> memref<320x128xf32, #tpu.memory_space<vmem>>
      tpu.enqueue_dma source(%dma_start3A_26 : memref<320x128xf32, #tpu.memory_space<vmem>>) target(%dma_start3A_23 : memref<320x128xf32, #tpu.memory_space<vmem_shared>>) target_semaphore(%run_scoped3A : memref<!tpu.dma_semaphore, #tpu.memory_space<semaphore_mem>>)
      %dma_wait3A = arith.constant 0 : i32
      %dma_wait3A_27 = arith.constant 0 : i32
      %dma_wait3A_28 = tpu.memref_slice %arg9[%dma_wait3A, %dma_wait3A_27] : memref<400x128xf32, #tpu.memory_space<vmem>> -> memref<320x128xf32, #tpu.memory_space<vmem>>
      %dma_wait3A_29 = arith.constant 0 : i32
      %dma_wait3A_30 = tpu.memref_slice %arg11[%mul3A_0, %dma_wait3A_29] : memref<5120x128xf32, #tpu.memory_space<vmem_shared>> -> memref<320x128xf32, #tpu.memory_space<vmem_shared>>
      %dma_wait3A_31 = arith.constant 0 : i32
      %dma_wait3A_32 = tpu.memref_slice %arg11[%mul3A_0, %dma_wait3A_31] : memref<5120x128xf32, #tpu.memory_space<vmem_shared>> -> memref<320x128xf32, #tpu.memory_space<vmem_shared>>
      %dma_wait3A_33 = arith.constant 0 : i32
      %dma_wait3A_34 = arith.constant 0 : i32
      %dma_wait3A_35 = tpu.memref_slice %arg9[%dma_wait3A_33, %dma_wait3A_34] : memref<400x128xf32, #tpu.memory_space<vmem>> -> memref<320x128xf32, #tpu.memory_space<vmem>>
      tpu.wait_dma2 semaphore(%run_scoped3A : memref<!tpu.dma_semaphore, #tpu.memory_space<semaphore_mem>>) src(%dma_wait3A_35 : memref<320x128xf32, #tpu.memory_space<vmem>>) dst(%dma_wait3A_32 : memref<320x128xf32, #tpu.memory_space<vmem_shared>>)
      tpu.yield
    }) : () -> ()
    %barrier3A = arith.constant 0 : index
    tpu.barrier barrier_id(%barrier3A)
    %mul3A_8 = arith.constant 5000 : i32
    %mul3A_9 = arith.muli %arg0, %mul3A_8 : i32
    %scan3A_10 = arith.constant 0 : i32
    %scan3A_11 = arith.constant 0 : i32
    %scan3A_12 = arith.constant 50 : i32
    %scan3A_13 = arith.addi %scan3A_11, %scan3A_12 : i32
    %scan3A_14 = arith.constant 1 : i32
    %scan3A_15 = scf.for %scan3A_18 = %scan3A_11 to %scan3A_13 step %scan3A_14 iter_args(%scan3A_19 = %scan3A_10) -> (i32)  : i32 {
      %mul3A_20 = arith.constant 20000 : i32
      %mul3A_21 = arith.muli %arg1, %mul3A_20 : i32
      %mul3A_22 = arith.constant 400 : i32
      %mul3A_23 = arith.muli %scan3A_18, %mul3A_22 : i32
      %add3A = arith.addi %mul3A_21, %mul3A_23 : i32
      "tpu.region"() ({
        %run_scoped3A = tpu.sem_alloc : memref<!tpu.dma_semaphore, #tpu.memory_space<semaphore_mem>>
        %dma_start3A_36 = tpu.memref_slice %arg3[%add3A] : memref<320000xi32, #tpu.memory_space<hbm>> -> memref<400xi32, #tpu.memory_space<hbm>>
        %dma_start3A_37 = tpu.memref_slice %arg3[%add3A] : memref<320000xi32, #tpu.memory_space<hbm>> -> memref<400xi32, #tpu.memory_space<hbm>>
        tpu.enqueue_dma source(%dma_start3A_37 : memref<400xi32, #tpu.memory_space<hbm>>) target(%arg6 : memref<400xi32, #tpu.memory_space<vmem>>) target_semaphore(%run_scoped3A : memref<!tpu.dma_semaphore, #tpu.memory_space<semaphore_mem>>)
        %dma_wait3A_38 = tpu.memref_slice %arg3[%add3A] : memref<320000xi32, #tpu.memory_space<hbm>> -> memref<400xi32, #tpu.memory_space<hbm>>
        %dma_wait3A_39 = tpu.memref_slice %arg3[%add3A] : memref<320000xi32, #tpu.memory_space<hbm>> -> memref<400xi32, #tpu.memory_space<hbm>>
        tpu.wait_dma2 semaphore(%run_scoped3A : memref<!tpu.dma_semaphore, #tpu.memory_space<semaphore_mem>>) src(%dma_wait3A_39 : memref<400xi32, #tpu.memory_space<hbm>>) dst(%arg6 : memref<400xi32, #tpu.memory_space<vmem>>)
        tpu.yield
      }) : () -> ()
      "tpu.region"() ({
        %run_scoped3A = tpu.sem_alloc : memref<!tpu.dma_semaphore, #tpu.memory_space<semaphore_mem>>
        %dma_start3A_36 = tpu.memref_slice %arg4[%add3A] : memref<320000xi32, #tpu.memory_space<hbm>> -> memref<400xi32, #tpu.memory_space<hbm>>
        %dma_start3A_37 = tpu.memref_slice %arg4[%add3A] : memref<320000xi32, #tpu.memory_space<hbm>> -> memref<400xi32, #tpu.memory_space<hbm>>
        tpu.enqueue_dma source(%dma_start3A_37 : memref<400xi32, #tpu.memory_space<hbm>>) target(%arg7 : memref<400xi32, #tpu.memory_space<vmem>>) target_semaphore(%run_scoped3A : memref<!tpu.dma_semaphore, #tpu.memory_space<semaphore_mem>>)
        %dma_wait3A_38 = tpu.memref_slice %arg4[%add3A] : memref<320000xi32, #tpu.memory_space<hbm>> -> memref<400xi32, #tpu.memory_space<hbm>>
        %dma_wait3A_39 = tpu.memref_slice %arg4[%add3A] : memref<320000xi32, #tpu.memory_space<hbm>> -> memref<400xi32, #tpu.memory_space<hbm>>
        tpu.wait_dma2 semaphore(%run_scoped3A : memref<!tpu.dma_semaphore, #tpu.memory_space<semaphore_mem>>) src(%dma_wait3A_39 : memref<400xi32, #tpu.memory_space<hbm>>) dst(%arg7 : memref<400xi32, #tpu.memory_space<vmem>>)
        tpu.yield
      }) : () -> ()
      %scan3A_24 = arith.constant 0 : i32
      %scan3A_25 = arith.constant 0 : i32
      %scan3A_26 = arith.constant 25 : i32
      %scan3A_27 = arith.addi %scan3A_25, %scan3A_26 : i32
      %scan3A_28 = arith.constant 1 : i32
      %scan3A_29 = scf.for %scan3A_36 = %scan3A_25 to %scan3A_27 step %scan3A_28 iter_args(%scan3A_37 = %scan3A_24) -> (i32)  : i32 {
        %mul3A_38 = arith.constant 16 : i32
        %mul3A_39 = arith.muli %scan3A_36, %mul3A_38 : i32
        %get3A = arith.index_cast %mul3A_39 : i32 to index
        %get3A_40 = tpu.vector_load %arg7[%get3A] {strides = array<i32>} : memref<400xi32, #tpu.memory_space<vmem>>, vector<16xi32>,
        %get3A_41 = vector.shape_cast %get3A_40 : vector<16xi32> to vector<16xi32>
        %sub3A = vector.broadcast %mul3A_9 : i32 to vector<16xi32>
        %sub3A_42 = arith.subi %get3A_41, %sub3A : vector<16xi32>
        %ge3A = arith.constant 0 : i32
        %ge3A_43 = vector.broadcast %ge3A : i32 to vector<16xi32>
        %ge3A_44 = arith.cmpi sge, %sub3A_42, %ge3A_43 : vector<16xi32>
        %lt3A = arith.constant 5000 : i32
        %lt3A_45 = vector.broadcast %lt3A : i32 to vector<16xi32>
        %lt3A_46 = arith.cmpi slt, %sub3A_42, %lt3A_45 : vector<16xi32>
        %and3A = arith.andi %ge3A_44, %lt3A_46 : vector<16xi1>
        %jit3A = arith.constant 5119 : i32
        %broadcast_in_dim3A_47 = vector.broadcast %jit3A : i32 to vector<16xi32>
        %select_n3A = arith.select %and3A, %sub3A_42, %broadcast_in_dim3A_47 : vector<16xi1>, vector<16xi32>
        %mul3A_48 = arith.constant 16 : i32
        %mul3A_49 = arith.muli %scan3A_36, %mul3A_48 : i32
        %swap3A = arith.index_cast %mul3A_49 : i32 to index
        %swap3A_50 = tpu.vector_load %arg8[%swap3A] {strides = array<i32>} : memref<400xi32, #tpu.memory_space<vmem>>, vector<16xi32>,
        %swap3A_51 = vector.shape_cast %swap3A_50 : vector<16xi32> to vector<16xi32>
        %swap3A_52 = vector.shape_cast %select_n3A : vector<16xi32> to vector<16xi32>
        tpu.vector_store %arg8[%swap3A], %swap3A_52 {strides = array<i32>} : memref<400xi32, #tpu.memory_space<vmem>>, vector<16xi32>,
        %scan3A_53 = arith.constant 0 : i32
        scf.yield %scan3A_53 : i32
      }
      %scan3A_30 = arith.constant 25 : i32
      %dma_start3A = arith.constant 0 : i32
      %dma_start3A_31 = arith.constant 0 : i32
      %dma_start3A_32 = tpu.memref_slice %arg2[%dma_start3A, %dma_start3A_31] : memref<10000x128xf32, #tpu.memory_space<hbm>> -> memref<10000x128xf32, #tpu.memory_space<hbm>>
      tpu.enqueue_indirect_dma source(%dma_start3A_32 : memref<10000x128xf32, #tpu.memory_space<hbm>>) target(%arg9 : memref<400x128xf32, #tpu.memory_space<vmem>>) offsets(%arg6 : memref<400xi32, #tpu.memory_space<vmem>>) semaphore(%arg10 : memref<!tpu.dma_semaphore, #tpu.memory_space<semaphore_mem>>)
      %dma_wait3A = arith.constant 0 : i32
      %dma_wait3A_33 = arith.constant 0 : i32
      %dma_wait3A_34 = tpu.memref_slice %arg2[%dma_wait3A, %dma_wait3A_33] : memref<10000x128xf32, #tpu.memory_space<hbm>> -> memref<10000x128xf32, #tpu.memory_space<hbm>>
      tpu.wait_indirect_dma semaphore(%arg10 : memref<!tpu.dma_semaphore, #tpu.memory_space<semaphore_mem>>) src(%dma_wait3A_34 : memref<10000x128xf32, #tpu.memory_space<hbm>>) dst(%arg9 : memref<400x128xf32, #tpu.memory_space<vmem>>)
      "tpu.region"() ({
        %run_scoped3A = tpu.sem_alloc : memref<!tpu.dma_semaphore, #tpu.memory_space<semaphore_mem>>
        %dma_start3A_36 = arith.constant 0 : i32
        %dma_start3A_37 = arith.constant 0 : i32
        %dma_start3A_38 = tpu.memref_slice %arg11[%dma_start3A_36, %dma_start3A_37] : memref<5120x128xf32, #tpu.memory_space<vmem_shared>> -> memref<5120x128xf32, #tpu.memory_space<vmem_shared>>
        tpu.enqueue_indirect_dma source(%arg9 : memref<400x128xf32, #tpu.memory_space<vmem>>) target(%dma_start3A_38 : memref<5120x128xf32, #tpu.memory_space<vmem_shared>>) offsets(%arg8 : memref<400xi32, #tpu.memory_space<vmem>>) semaphore(%run_scoped3A : memref<!tpu.dma_semaphore, #tpu.memory_space<semaphore_mem>>) {add = true}
        %dma_wait3A_39 = arith.constant 0 : i32
        %dma_wait3A_40 = arith.constant 0 : i32
        %dma_wait3A_41 = tpu.memref_slice %arg11[%dma_wait3A_39, %dma_wait3A_40] : memref<5120x128xf32, #tpu.memory_space<vmem_shared>> -> memref<5120x128xf32, #tpu.memory_space<vmem_shared>>
        tpu.wait_indirect_dma semaphore(%run_scoped3A : memref<!tpu.dma_semaphore, #tpu.memory_space<semaphore_mem>>) src(%arg9 : memref<400x128xf32, #tpu.memory_space<vmem>>) dst(%dma_wait3A_41 : memref<5120x128xf32, #tpu.memory_space<vmem_shared>>)
        tpu.yield
      }) : () -> ()
      %scan3A_35 = arith.constant 0 : i32
      scf.yield %scan3A_35 : i32
    }
    %scan3A_16 = arith.constant 50 : i32
    %barrier3A_17 = arith.constant 0 : index
    tpu.barrier barrier_id(%barrier3A_17)
    "tpu.region"() ({
      %run_scoped3A = tpu.sem_alloc : memref<!tpu.dma_semaphore, #tpu.memory_space<semaphore_mem>>
      %dma_start3A = arith.constant 0 : i32
      %dma_start3A_18 = tpu.memref_slice %arg5[%arg0, %mul3A_0, %dma_start3A] : memref<2x5120x128xf32, #tpu.memory_space<hbm>> -> memref<1x320x128xf32, #tpu.memory_space<hbm>>
      %dma_start3A_19 = tpu.memref_squeeze %dma_start3A_18 : memref<1x320x128xf32, #tpu.memory_space<hbm>> -> memref<320x128xf32, #tpu.memory_space<hbm>>
      %dma_start3A_20 = arith.constant 0 : i32
      %dma_start3A_21 = tpu.memref_slice %arg11[%mul3A_0, %dma_start3A_20] : memref<5120x128xf32, #tpu.memory_space<vmem_shared>> -> memref<320x128xf32, #tpu.memory_space<vmem_shared>>
      tpu.enqueue_dma source(%dma_start3A_21 : memref<320x128xf32, #tpu.memory_space<vmem_shared>>) target(%dma_start3A_19 : memref<320x128xf32, #tpu.memory_space<hbm>>) target_semaphore(%run_scoped3A : memref<!tpu.dma_semaphore, #tpu.memory_space<semaphore_mem>>)
      %dma_wait3A = arith.constant 0 : i32
      %dma_wait3A_22 = tpu.memref_slice %arg5[%arg0, %mul3A_0, %dma_wait3A] : memref<2x5120x128xf32, #tpu.memory_space<hbm>> -> memref<1x320x128xf32, #tpu.memory_space<hbm>>
      %dma_wait3A_23 = tpu.memref_squeeze %dma_wait3A_22 : memref<1x320x128xf32, #tpu.memory_space<hbm>> -> memref<320x128xf32, #tpu.memory_space<hbm>>
      %dma_wait3A_24 = arith.constant 0 : i32
      %dma_wait3A_25 = tpu.memref_slice %arg11[%mul3A_0, %dma_wait3A_24] : memref<5120x128xf32, #tpu.memory_space<vmem_shared>> -> memref<320x128xf32, #tpu.memory_space<vmem_shared>>
      tpu.wait_dma2 semaphore(%run_scoped3A : memref<!tpu.dma_semaphore, #tpu.memory_space<semaphore_mem>>) src(%dma_wait3A_25 : memref<320x128xf32, #tpu.memory_space<vmem_shared>>) dst(%dma_wait3A_23 : memref<320x128xf32, #tpu.memory_space<hbm>>)
      tpu.yield
    }) : () -> ()
    return
  }
}

module attributes {stable_mosaic.version = 14 : i64} {
  func.func @_dense1_body(%arg0: i32, %arg1: memref<400x128xf32, #tpu.memory_space<vmem>>, %arg2: memref<400x16xf32, #tpu.memory_space<vmem>>, %arg3: memref<128x128xf32, #tpu.memory_space<vmem>>, %arg4: memref<1x128xf32, #tpu.memory_space<vmem>>, %arg5: memref<128x128xf32, #tpu.memory_space<vmem>>, %arg6: memref<400x128xf32, #tpu.memory_space<vmem>>, %arg7: memref<400x128xf32, #tpu.memory_space<vmem>>, %arg8: memref<400x1xf32, #tpu.memory_space<vmem>>) attributes {dimension_semantics = [#tpu.dimension_semantics<arbitrary>], iteration_bounds = array<i64: 25>, scalar_prefetch = 0 : i64, scratch_operands = 0 : i64, tpu.core_type = #tpu.core_type<tc>, window_params = [{transform_indices = @transform_0, window_bounds = array<i64: 400, 128>}, {transform_indices = @transform_1, window_bounds = array<i64: 400, 16>}, {pipeline_mode = #tpu.pipeline_mode<synchronous>, transform_indices = @transform_2, window_bounds = array<i64: 128, 128>}, {pipeline_mode = #tpu.pipeline_mode<synchronous>, transform_indices = @transform_3, window_bounds = array<i64: 1, 128>}, {pipeline_mode = #tpu.pipeline_mode<synchronous>, transform_indices = @transform_4, window_bounds = array<i64: 128, 128>}, {transform_indices = @transform_5, window_bounds = array<i64: 400, 128>}, {transform_indices = @transform_6, window_bounds = array<i64: 400, 128>}, {transform_indices = @transform_7, window_bounds = array<i64: 400, 1>}]} {
    %get3A = arith.constant 0 : index
    %get3A_0 = arith.constant 0 : index
    %get3A_1 = vector.load %arg1[%get3A, %get3A_0] : memref<400x128xf32, #tpu.memory_space<vmem>>, vector<400x128xf32>
    %get3A_2 = arith.constant 0 : index
    %get3A_3 = arith.constant 0 : index
    %get3A_4 = vector.load %arg2[%get3A_2, %get3A_3] : memref<400x16xf32, #tpu.memory_space<vmem>>, vector<400x1xf32>
    %add3A = arith.constant 1.000000e+00 : f32
    %add3A_5 = vector.broadcast %add3A : f32 to vector<400x1xf32>
    %add3A_6 = arith.addf %get3A_4, %add3A_5 : vector<400x1xf32>
    %rsqrt3A = math.rsqrt %add3A_6 : vector<400x1xf32>
    %get3A_7 = arith.constant 0 : index
    %get3A_8 = arith.constant 0 : index
    %get3A_9 = vector.load %arg3[%get3A_7, %get3A_8] : memref<128x128xf32, #tpu.memory_space<vmem>>, vector<128x128xf32>
    %dot_general3A = arith.constant dense<0.000000e+00> : vector<400x128xf32>
    %dot_general3A_10 = tpu.matmul %get3A_1, %get3A_9, %dot_general3A {dimension_numbers = #tpu.dot_dimension_numbers<[1], [1], [0], [0], [0, 0, 1, 0], [], []>, transpose_lhs_hint = false} : vector<400x128xf32>, vector<128x128xf32>, vector<400x128xf32> -> vector<400x128xf32>
    %get3A_11 = arith.constant 0 : index
    %get3A_12 = arith.constant 0 : index
    %get3A_13 = vector.load %arg4[%get3A_11, %get3A_12] : memref<1x128xf32, #tpu.memory_space<vmem>>, vector<1x128xf32>
    %add3A_14 = vector.broadcast %get3A_13 : vector<1x128xf32> to vector<400x128xf32>
    %add3A_15 = arith.addf %dot_general3A_10, %add3A_14 : vector<400x128xf32>
    %max3A = arith.constant 0.000000e+00 : f32
    %max3A_16 = vector.broadcast %max3A : f32 to vector<400x128xf32>
    %max3A_17 = arith.maximumf %add3A_15, %max3A_16 : vector<400x128xf32>
    %get3A_18 = arith.constant 0 : index
    %get3A_19 = arith.constant 0 : index
    %get3A_20 = vector.load %arg5[%get3A_18, %get3A_19] : memref<128x128xf32, #tpu.memory_space<vmem>>, vector<128x128xf32>
    %dot_general3A_21 = arith.constant dense<0.000000e+00> : vector<400x128xf32>
    %dot_general3A_22 = tpu.matmul %get3A_1, %get3A_20, %dot_general3A_21 {dimension_numbers = #tpu.dot_dimension_numbers<[1], [1], [0], [0], [0, 0, 1, 0], [], []>, transpose_lhs_hint = false} : vector<400x128xf32>, vector<128x128xf32>, vector<400x128xf32> -> vector<400x128xf32>
    %swap3A = arith.constant 0 : index
    %swap3A_23 = arith.constant 0 : index
    %swap3A_24 = vector.load %arg6[%swap3A, %swap3A_23] : memref<400x128xf32, #tpu.memory_space<vmem>>, vector<400x128xf32>
    tpu.vector_store %arg6[%swap3A, %swap3A_23], %max3A_17 {strides = array<i32>} : memref<400x128xf32, #tpu.memory_space<vmem>>, vector<400x128xf32>,
    %mul3A = vector.broadcast %rsqrt3A : vector<400x1xf32> to vector<400x128xf32>
    %mul3A_25 = arith.mulf %mul3A, %dot_general3A_22 : vector<400x128xf32>
    %swap3A_26 = arith.constant 0 : index
    %swap3A_27 = arith.constant 0 : index
    %swap3A_28 = vector.load %arg7[%swap3A_26, %swap3A_27] : memref<400x128xf32, #tpu.memory_space<vmem>>, vector<400x128xf32>
    tpu.vector_store %arg7[%swap3A_26, %swap3A_27], %mul3A_25 {strides = array<i32>} : memref<400x128xf32, #tpu.memory_space<vmem>>, vector<400x128xf32>,
    %swap3A_29 = arith.constant 0 : index
    %swap3A_30 = arith.constant 0 : index
    %swap3A_31 = vector.load %arg8[%swap3A_29, %swap3A_30] : memref<400x1xf32, #tpu.memory_space<vmem>>, vector<400x1xf32>
    tpu.vector_store %arg8[%swap3A_29, %swap3A_30], %rsqrt3A {strides = array<i32>} : memref<400x1xf32, #tpu.memory_space<vmem>>, vector<400x1xf32>,
    return
  }
  func.func @transform_0(%arg0: i32) -> (i32, i32) {
    %c0_i32 = arith.constant 0 : i32
    %c0_i32_0 = arith.constant 0 : i32
    return %arg0, %c0_i32 : i32, i32
  }
  func.func @transform_1(%arg0: i32) -> (i32, i32) {
    %c0_i32 = arith.constant 0 : i32
    %c0_i32_0 = arith.constant 0 : i32
    return %arg0, %c0_i32 : i32, i32
  }
  func.func @transform_2(%arg0: i32) -> (i32, i32) {
    %c0_i32 = arith.constant 0 : i32
    %c0_i32_0 = arith.constant 0 : i32
    %c0_i32_1 = arith.constant 0 : i32
    return %c0_i32, %c0_i32_0 : i32, i32
  }
  func.func @transform_3(%arg0: i32) -> (i32, i32) {
    %c0_i32 = arith.constant 0 : i32
    %c0_i32_0 = arith.constant 0 : i32
    %c0_i32_1 = arith.constant 0 : i32
    return %c0_i32, %c0_i32_0 : i32, i32
  }
  func.func @transform_4(%arg0: i32) -> (i32, i32) {
    %c0_i32 = arith.constant 0 : i32
    %c0_i32_0 = arith.constant 0 : i32
    %c0_i32_1 = arith.constant 0 : i32
    return %c0_i32, %c0_i32_0 : i32, i32
  }
  func.func @transform_5(%arg0: i32) -> (i32, i32) {
    %c0_i32 = arith.constant 0 : i32
    %c0_i32_0 = arith.constant 0 : i32
    return %arg0, %c0_i32 : i32, i32
  }
  func.func @transform_6(%arg0: i32) -> (i32, i32) {
    %c0_i32 = arith.constant 0 : i32
    %c0_i32_0 = arith.constant 0 : i32
    return %arg0, %c0_i32 : i32, i32
  }
  func.func @transform_7(%arg0: i32) -> (i32, i32) {
    %c0_i32 = arith.constant 0 : i32
    %c0_i32_0 = arith.constant 0 : i32
    return %arg0, %c0_i32 : i32, i32
  }
}

module attributes {stable_mosaic.version = 14 : i64} {
  func.func @_dense2_body(%arg0: i32, %arg1: memref<400x128xf32, #tpu.memory_space<vmem>>, %arg2: memref<400x128xf32, #tpu.memory_space<vmem>>, %arg3: memref<400x128xf32, #tpu.memory_space<vmem>>, %arg4: memref<400x1xf32, #tpu.memory_space<vmem>>, %arg5: memref<1x128xf32, #tpu.memory_space<vmem>>, %arg6: memref<16x128xf32, #tpu.memory_space<vmem>>, %arg7: memref<1x16xf32, #tpu.memory_space<vmem>>, %arg8: memref<1x16xf32, #tpu.memory_space<vmem>>, %arg9: memref<128x128xf32, #tpu.memory_space<vmem>>, %arg10: memref<400x128xf32, #tpu.memory_space<vmem>>, %arg11: memref<400x1xf32, #tpu.memory_space<vmem>>) attributes {dimension_semantics = [#tpu.dimension_semantics<arbitrary>], iteration_bounds = array<i64: 25>, scalar_prefetch = 0 : i64, scratch_operands = 0 : i64, tpu.core_type = #tpu.core_type<tc>, window_params = [{transform_indices = @transform_0, window_bounds = array<i64: 400, 128>}, {transform_indices = @transform_1, window_bounds = array<i64: 400, 128>}, {transform_indices = @transform_2, window_bounds = array<i64: 400, 128>}, {transform_indices = @transform_3, window_bounds = array<i64: 400, 1>}, {pipeline_mode = #tpu.pipeline_mode<synchronous>, transform_indices = @transform_4, window_bounds = array<i64: 1, 128>}, {pipeline_mode = #tpu.pipeline_mode<synchronous>, transform_indices = @transform_5, window_bounds = array<i64: 16, 128>}, {pipeline_mode = #tpu.pipeline_mode<synchronous>, transform_indices = @transform_6, window_bounds = array<i64: 1, 16>}, {pipeline_mode = #tpu.pipeline_mode<synchronous>, transform_indices = @transform_7, window_bounds = array<i64: 1, 16>}, {pipeline_mode = #tpu.pipeline_mode<synchronous>, transform_indices = @transform_8, window_bounds = array<i64: 128, 128>}, {transform_indices = @transform_9, window_bounds = array<i64: 400, 128>}, {transform_indices = @transform_10, window_bounds = array<i64: 400, 1>}]} {
    %get3A = arith.constant 0 : index
    %get3A_0 = arith.constant 0 : index
    %get3A_1 = vector.load %arg4[%get3A, %get3A_0] : memref<400x1xf32, #tpu.memory_space<vmem>>, vector<400x1xf32>
    %get3A_2 = arith.constant 0 : index
    %get3A_3 = arith.constant 0 : index
    %get3A_4 = vector.load %arg1[%get3A_2, %get3A_3] : memref<400x128xf32, #tpu.memory_space<vmem>>, vector<400x128xf32>
    %get3A_5 = arith.constant 0 : index
    %get3A_6 = arith.constant 0 : index
    %get3A_7 = vector.load %arg2[%get3A_5, %get3A_6] : memref<400x128xf32, #tpu.memory_space<vmem>>, vector<400x128xf32>
    %add3A = arith.addf %get3A_4, %get3A_7 : vector<400x128xf32>
    %mul3A = vector.broadcast %get3A_1 : vector<400x1xf32> to vector<400x128xf32>
    %mul3A_8 = arith.mulf %mul3A, %add3A : vector<400x128xf32>
    %get3A_9 = arith.constant 0 : index
    %get3A_10 = arith.constant 0 : index
    %get3A_11 = vector.load %arg5[%get3A_9, %get3A_10] : memref<1x128xf32, #tpu.memory_space<vmem>>, vector<1x128xf32>
    %add3A_12 = vector.broadcast %get3A_11 : vector<1x128xf32> to vector<400x128xf32>
    %add3A_13 = arith.addf %mul3A_8, %add3A_12 : vector<400x128xf32>
    %max3A = arith.constant 0.000000e+00 : f32
    %max3A_14 = vector.broadcast %max3A : f32 to vector<400x128xf32>
    %max3A_15 = arith.maximumf %add3A_13, %max3A_14 : vector<400x128xf32>
    %get3A_16 = arith.constant 0 : index
    %get3A_17 = arith.constant 0 : index
    %get3A_18 = vector.load %arg6[%get3A_16, %get3A_17] : memref<16x128xf32, #tpu.memory_space<vmem>>, vector<16x128xf32>
    %dot_general3A = arith.constant dense<0.000000e+00> : vector<400x16xf32>
    %dot_general3A_19 = tpu.matmul %max3A_15, %get3A_18, %dot_general3A {dimension_numbers = #tpu.dot_dimension_numbers<[1], [1], [0], [0], [0, 0, 1, 0], [], []>, transpose_lhs_hint = false} : vector<400x128xf32>, vector<16x128xf32>, vector<400x16xf32> -> vector<400x16xf32>
    %get3A_20 = arith.constant 0 : index
    %get3A_21 = arith.constant 0 : index
    %get3A_22 = vector.load %arg7[%get3A_20, %get3A_21] : memref<1x16xf32, #tpu.memory_space<vmem>>, vector<1x16xf32>
    %add3A_23 = vector.broadcast %get3A_22 : vector<1x16xf32> to vector<400x16xf32>
    %add3A_24 = arith.addf %dot_general3A_19, %add3A_23 : vector<400x16xf32>
    %reduce_max3A = arith.constant dense<0xFF800000> : vector<400xf32>
    %reduce_max3A_25 = vector.multi_reduction <maximumf>, %add3A_24, %reduce_max3A [1] : vector<400x16xf32> to vector<400xf32>
    %broadcast_in_dim3A = vector.shape_cast %reduce_max3A_25 : vector<400xf32> to vector<400x1xf32>
    %sub3A = vector.broadcast %broadcast_in_dim3A : vector<400x1xf32> to vector<400x16xf32>
    %sub3A_26 = arith.subf %add3A_24, %sub3A : vector<400x16xf32>
    %exp3A = math.exp %sub3A_26 : vector<400x16xf32>
    %reduce_sum3A = arith.constant dense<0.000000e+00> : vector<400xf32>
    %reduce_sum3A_27 = vector.multi_reduction <add>, %exp3A, %reduce_sum3A [1] : vector<400x16xf32> to vector<400xf32>
    %broadcast_in_dim3A_28 = vector.shape_cast %reduce_sum3A_27 : vector<400xf32> to vector<400x1xf32>
    %div3A = vector.broadcast %broadcast_in_dim3A_28 : vector<400x1xf32> to vector<400x16xf32>
    %div3A_29 = arith.divf %exp3A, %div3A : vector<400x16xf32>
    %get3A_30 = arith.constant 0 : index
    %get3A_31 = arith.constant 0 : index
    %get3A_32 = vector.load %arg8[%get3A_30, %get3A_31] : memref<1x16xf32, #tpu.memory_space<vmem>>, vector<1x16xf32>
    %reduce_sum3A_33 = vector.shape_cast %get3A_32 : vector<1x16xf32> to vector<1x1x16xf32>
    %reduce_sum3A_34 = arith.constant dense<0.000000e+00> : vector<1xf32>
    %reduce_sum3A_35 = vector.multi_reduction <add>, %reduce_sum3A_33, %reduce_sum3A_34 [1, 2] : vector<1x1x16xf32> to vector<1xf32>
    %reduce_sum3A_36 = vector.shape_cast %reduce_sum3A_35 : vector<1xf32> to vector<1x1x1xf32>
    %reduce_sum3A_37 = vector.extract %reduce_sum3A_36[0, 0, 0] : f32 from vector<1x1x1xf32>
    %div3A_38 = arith.constant 1.600000e+01 : f32
    %div3A_39 = arith.divf %reduce_sum3A_37, %div3A_38 : f32
    %sub3A_40 = vector.broadcast %div3A_39 : f32 to vector<1x16xf32>
    %sub3A_41 = arith.subf %get3A_32, %sub3A_40 : vector<1x16xf32>
    %integer_pow3A = arith.mulf %sub3A_41, %sub3A_41 : vector<1x16xf32>
    %reduce_sum3A_42 = vector.shape_cast %integer_pow3A : vector<1x16xf32> to vector<1x1x16xf32>
    %reduce_sum3A_43 = arith.constant dense<0.000000e+00> : vector<1xf32>
    %reduce_sum3A_44 = vector.multi_reduction <add>, %reduce_sum3A_42, %reduce_sum3A_43 [1, 2] : vector<1x1x16xf32> to vector<1xf32>
    %reduce_sum3A_45 = vector.shape_cast %reduce_sum3A_44 : vector<1xf32> to vector<1x1x1xf32>
    %reduce_sum3A_46 = vector.extract %reduce_sum3A_45[0, 0, 0] : f32 from vector<1x1x1xf32>
    %div3A_47 = arith.constant 1.500000e+01 : f32
    %div3A_48 = arith.divf %reduce_sum3A_46, %div3A_47 : f32
    %sub3A_49 = vector.broadcast %div3A_39 : f32 to vector<1x16xf32>
    %sub3A_50 = arith.subf %get3A_32, %sub3A_49 : vector<1x16xf32>
    %sqrt3A = math.sqrt %div3A_48 : f32
    %add3A_51 = arith.constant 9.99999993E-9 : f32
    %add3A_52 = arith.addf %sqrt3A, %add3A_51 : f32
    %div3A_53 = vector.broadcast %add3A_52 : f32 to vector<1x16xf32>
    %div3A_54 = arith.divf %sub3A_50, %div3A_53 : vector<1x16xf32>
    %mul3A_55 = arith.constant -1.000000e+00 : f32
    %mul3A_56 = vector.broadcast %mul3A_55 : f32 to vector<1x16xf32>
    %mul3A_57 = arith.mulf %mul3A_56, %div3A_54 : vector<1x16xf32>
    %exp3A_58 = math.exp %mul3A_57 : vector<1x16xf32>
    %add3A_59 = arith.constant 1.000000e+00 : f32
    %add3A_60 = vector.broadcast %add3A_59 : f32 to vector<1x16xf32>
    %add3A_61 = arith.addf %add3A_60, %exp3A_58 : vector<1x16xf32>
    %div3A_62 = arith.constant 1.000000e+00 : f32
    %div3A_63 = vector.broadcast %div3A_62 : f32 to vector<1x16xf32>
    %div3A_64 = arith.divf %div3A_63, %add3A_61 : vector<1x16xf32>
    %sub3A_65 = arith.constant 1.000000e+00 : f32
    %sub3A_66 = vector.broadcast %sub3A_65 : f32 to vector<400x16xf32>
    %sub3A_67 = arith.subf %sub3A_66, %div3A_29 : vector<400x16xf32>
    %mul3A_68 = vector.broadcast %div3A_64 : vector<1x16xf32> to vector<400x16xf32>
    %mul3A_69 = arith.mulf %mul3A_68, %sub3A_67 : vector<400x16xf32>
    %reduce_sum3A_70 = arith.constant dense<0.000000e+00> : vector<400xf32>
    %reduce_sum3A_71 = vector.multi_reduction <add>, %mul3A_69, %reduce_sum3A_70 [1] : vector<400x16xf32> to vector<400xf32>
    %broadcast_in_dim3A_72 = vector.shape_cast %reduce_sum3A_71 : vector<400xf32> to vector<400x1xf32>
    %div3A_73 = arith.constant 1.600000e+01 : f32
    %div3A_74 = vector.broadcast %div3A_73 : f32 to vector<400x1xf32>
    %div3A_75 = arith.divf %broadcast_in_dim3A_72, %div3A_74 : vector<400x1xf32>
    %jit3A = arith.constant 0.000000e+00 : f32
    %jit3A_76 = arith.constant 1.000000e+00 : f32
    %max3A_77 = vector.broadcast %jit3A : f32 to vector<400x1xf32>
    %max3A_78 = arith.maximumf %max3A_77, %div3A_75 : vector<400x1xf32>
    %min3A = vector.broadcast %jit3A_76 : f32 to vector<400x1xf32>
    %min3A_79 = arith.minimumf %min3A, %max3A_78 : vector<400x1xf32>
    %sub3A_80 = arith.constant 1.000000e+00 : f32
    %sub3A_81 = vector.broadcast %sub3A_80 : f32 to vector<400x1xf32>
    %sub3A_82 = arith.subf %sub3A_81, %min3A_79 : vector<400x1xf32>
    %get3A_83 = arith.constant 0 : index
    %get3A_84 = arith.constant 0 : index
    %get3A_85 = vector.load %arg3[%get3A_83, %get3A_84] : memref<400x128xf32, #tpu.memory_space<vmem>>, vector<400x128xf32>
    %mul3A_86 = vector.broadcast %sub3A_82 : vector<400x1xf32> to vector<400x128xf32>
    %mul3A_87 = arith.mulf %mul3A_86, %get3A_85 : vector<400x128xf32>
    %mul3A_88 = vector.broadcast %min3A_79 : vector<400x1xf32> to vector<400x128xf32>
    %mul3A_89 = arith.mulf %mul3A_88, %max3A_15 : vector<400x128xf32>
    %add3A_90 = arith.addf %mul3A_87, %mul3A_89 : vector<400x128xf32>
    %max3A_91 = arith.constant 0.000000e+00 : f32
    %max3A_92 = vector.broadcast %max3A_91 : f32 to vector<400x128xf32>
    %max3A_93 = arith.maximumf %add3A_90, %max3A_92 : vector<400x128xf32>
    %get3A_94 = arith.constant 0 : index
    %get3A_95 = arith.constant 0 : index
    %get3A_96 = vector.load %arg9[%get3A_94, %get3A_95] : memref<128x128xf32, #tpu.memory_space<vmem>>, vector<128x128xf32>
    %dot_general3A_97 = arith.constant dense<0.000000e+00> : vector<400x128xf32>
    %dot_general3A_98 = tpu.matmul %max3A_93, %get3A_96, %dot_general3A_97 {dimension_numbers = #tpu.dot_dimension_numbers<[1], [1], [0], [0], [0, 0, 1, 0], [], []>, transpose_lhs_hint = false} : vector<400x128xf32>, vector<128x128xf32>, vector<400x128xf32> -> vector<400x128xf32>
    %mul3A_99 = vector.broadcast %get3A_1 : vector<400x1xf32> to vector<400x128xf32>
    %mul3A_100 = arith.mulf %mul3A_99, %dot_general3A_98 : vector<400x128xf32>
    %swap3A = arith.constant 0 : index
    %swap3A_101 = arith.constant 0 : index
    %swap3A_102 = vector.load %arg10[%swap3A, %swap3A_101] : memref<400x128xf32, #tpu.memory_space<vmem>>, vector<400x128xf32>
    tpu.vector_store %arg10[%swap3A, %swap3A_101], %mul3A_100 {strides = array<i32>} : memref<400x128xf32, #tpu.memory_space<vmem>>, vector<400x128xf32>,
    %swap3A_103 = arith.constant 0 : index
    %swap3A_104 = arith.constant 0 : index
    %swap3A_105 = vector.load %arg11[%swap3A_103, %swap3A_104] : memref<400x1xf32, #tpu.memory_space<vmem>>, vector<400x1xf32>
    tpu.vector_store %arg11[%swap3A_103, %swap3A_104], %min3A_79 {strides = array<i32>} : memref<400x1xf32, #tpu.memory_space<vmem>>, vector<400x1xf32>,
    return
  }
  func.func @transform_0(%arg0: i32) -> (i32, i32) {
    %c0_i32 = arith.constant 0 : i32
    %c0_i32_0 = arith.constant 0 : i32
    return %arg0, %c0_i32 : i32, i32
  }
  func.func @transform_1(%arg0: i32) -> (i32, i32) {
    %c0_i32 = arith.constant 0 : i32
    %c0_i32_0 = arith.constant 0 : i32
    return %arg0, %c0_i32 : i32, i32
  }
  func.func @transform_2(%arg0: i32) -> (i32, i32) {
    %c0_i32 = arith.constant 0 : i32
    %c0_i32_0 = arith.constant 0 : i32
    return %arg0, %c0_i32 : i32, i32
  }
  func.func @transform_3(%arg0: i32) -> (i32, i32) {
    %c0_i32 = arith.constant 0 : i32
    %c0_i32_0 = arith.constant 0 : i32
    return %arg0, %c0_i32 : i32, i32
  }
  func.func @transform_4(%arg0: i32) -> (i32, i32) {
    %c0_i32 = arith.constant 0 : i32
    %c0_i32_0 = arith.constant 0 : i32
    %c0_i32_1 = arith.constant 0 : i32
    return %c0_i32, %c0_i32_0 : i32, i32
  }
  func.func @transform_5(%arg0: i32) -> (i32, i32) {
    %c0_i32 = arith.constant 0 : i32
    %c0_i32_0 = arith.constant 0 : i32
    %c0_i32_1 = arith.constant 0 : i32
    return %c0_i32, %c0_i32_0 : i32, i32
  }
  func.func @transform_6(%arg0: i32) -> (i32, i32) {
    %c0_i32 = arith.constant 0 : i32
    %c0_i32_0 = arith.constant 0 : i32
    %c0_i32_1 = arith.constant 0 : i32
    return %c0_i32, %c0_i32_0 : i32, i32
  }
  func.func @transform_7(%arg0: i32) -> (i32, i32) {
    %c0_i32 = arith.constant 0 : i32
    %c0_i32_0 = arith.constant 0 : i32
    %c0_i32_1 = arith.constant 0 : i32
    return %c0_i32, %c0_i32_0 : i32, i32
  }
  func.func @transform_8(%arg0: i32) -> (i32, i32) {
    %c0_i32 = arith.constant 0 : i32
    %c0_i32_0 = arith.constant 0 : i32
    %c0_i32_1 = arith.constant 0 : i32
    return %c0_i32, %c0_i32_0 : i32, i32
  }
  func.func @transform_9(%arg0: i32) -> (i32, i32) {
    %c0_i32 = arith.constant 0 : i32
    %c0_i32_0 = arith.constant 0 : i32
    return %arg0, %c0_i32 : i32, i32
  }
  func.func @transform_10(%arg0: i32) -> (i32, i32) {
    %c0_i32 = arith.constant 0 : i32
    %c0_i32_0 = arith.constant 0 : i32
    return %arg0, %c0_i32 : i32, i32
  }
}

module attributes {stable_mosaic.version = 14 : i64} {
  func.func @_dense3_body(%arg0: i32, %arg1: memref<400x128xf32, #tpu.memory_space<vmem>>, %arg2: memref<400x128xf32, #tpu.memory_space<vmem>>, %arg3: memref<400x1xf32, #tpu.memory_space<vmem>>, %arg4: memref<1x128xf32, #tpu.memory_space<vmem>>, %arg5: memref<16x128xf32, #tpu.memory_space<vmem>>, %arg6: memref<1x16xf32, #tpu.memory_space<vmem>>, %arg7: memref<400x16xf32, #tpu.memory_space<vmem>>) attributes {dimension_semantics = [#tpu.dimension_semantics<arbitrary>], iteration_bounds = array<i64: 25>, scalar_prefetch = 0 : i64, scratch_operands = 0 : i64, tpu.core_type = #tpu.core_type<tc>, window_params = [{transform_indices = @transform_0, window_bounds = array<i64: 400, 128>}, {transform_indices = @transform_1, window_bounds = array<i64: 400, 128>}, {transform_indices = @transform_2, window_bounds = array<i64: 400, 1>}, {pipeline_mode = #tpu.pipeline_mode<synchronous>, transform_indices = @transform_3, window_bounds = array<i64: 1, 128>}, {pipeline_mode = #tpu.pipeline_mode<synchronous>, transform_indices = @transform_4, window_bounds = array<i64: 16, 128>}, {pipeline_mode = #tpu.pipeline_mode<synchronous>, transform_indices = @transform_5, window_bounds = array<i64: 1, 16>}, {transform_indices = @transform_6, window_bounds = array<i64: 400, 16>}]} {
    %get3A = arith.constant 0 : index
    %get3A_0 = arith.constant 0 : index
    %get3A_1 = vector.load %arg3[%get3A, %get3A_0] : memref<400x1xf32, #tpu.memory_space<vmem>>, vector<400x1xf32>
    %get3A_2 = arith.constant 0 : index
    %get3A_3 = arith.constant 0 : index
    %get3A_4 = vector.load %arg1[%get3A_2, %get3A_3] : memref<400x128xf32, #tpu.memory_space<vmem>>, vector<400x128xf32>
    %get3A_5 = arith.constant 0 : index
    %get3A_6 = arith.constant 0 : index
    %get3A_7 = vector.load %arg2[%get3A_5, %get3A_6] : memref<400x128xf32, #tpu.memory_space<vmem>>, vector<400x128xf32>
    %add3A = arith.addf %get3A_4, %get3A_7 : vector<400x128xf32>
    %mul3A = vector.broadcast %get3A_1 : vector<400x1xf32> to vector<400x128xf32>
    %mul3A_8 = arith.mulf %mul3A, %add3A : vector<400x128xf32>
    %get3A_9 = arith.constant 0 : index
    %get3A_10 = arith.constant 0 : index
    %get3A_11 = vector.load %arg4[%get3A_9, %get3A_10] : memref<1x128xf32, #tpu.memory_space<vmem>>, vector<1x128xf32>
    %add3A_12 = vector.broadcast %get3A_11 : vector<1x128xf32> to vector<400x128xf32>
    %add3A_13 = arith.addf %mul3A_8, %add3A_12 : vector<400x128xf32>
    %max3A = arith.constant 0.000000e+00 : f32
    %max3A_14 = vector.broadcast %max3A : f32 to vector<400x128xf32>
    %max3A_15 = arith.maximumf %add3A_13, %max3A_14 : vector<400x128xf32>
    %get3A_16 = arith.constant 0 : index
    %get3A_17 = arith.constant 0 : index
    %get3A_18 = vector.load %arg5[%get3A_16, %get3A_17] : memref<16x128xf32, #tpu.memory_space<vmem>>, vector<16x128xf32>
    %dot_general3A = arith.constant dense<0.000000e+00> : vector<400x16xf32>
    %dot_general3A_19 = tpu.matmul %max3A_15, %get3A_18, %dot_general3A {dimension_numbers = #tpu.dot_dimension_numbers<[1], [1], [0], [0], [0, 0, 1, 0], [], []>, transpose_lhs_hint = false} : vector<400x128xf32>, vector<16x128xf32>, vector<400x16xf32> -> vector<400x16xf32>
    %get3A_20 = arith.constant 0 : index
    %get3A_21 = arith.constant 0 : index
    %get3A_22 = vector.load %arg6[%get3A_20, %get3A_21] : memref<1x16xf32, #tpu.memory_space<vmem>>, vector<1x16xf32>
    %add3A_23 = vector.broadcast %get3A_22 : vector<1x16xf32> to vector<400x16xf32>
    %add3A_24 = arith.addf %dot_general3A_19, %add3A_23 : vector<400x16xf32>
    %reduce_max3A = arith.constant dense<0xFF800000> : vector<400xf32>
    %reduce_max3A_25 = vector.multi_reduction <maximumf>, %add3A_24, %reduce_max3A [1] : vector<400x16xf32> to vector<400xf32>
    %broadcast_in_dim3A = vector.shape_cast %reduce_max3A_25 : vector<400xf32> to vector<400x1xf32>
    %sub3A = vector.broadcast %broadcast_in_dim3A : vector<400x1xf32> to vector<400x16xf32>
    %sub3A_26 = arith.subf %add3A_24, %sub3A : vector<400x16xf32>
    %exp3A = math.exp %sub3A_26 : vector<400x16xf32>
    %reduce_sum3A = arith.constant dense<0.000000e+00> : vector<400xf32>
    %reduce_sum3A_27 = vector.multi_reduction <add>, %exp3A, %reduce_sum3A [1] : vector<400x16xf32> to vector<400xf32>
    %broadcast_in_dim3A_28 = vector.shape_cast %reduce_sum3A_27 : vector<400xf32> to vector<400x1xf32>
    %div3A = vector.broadcast %broadcast_in_dim3A_28 : vector<400x1xf32> to vector<400x16xf32>
    %div3A_29 = arith.divf %exp3A, %div3A : vector<400x16xf32>
    %swap3A = arith.constant 0 : index
    %swap3A_30 = arith.constant 0 : index
    %swap3A_31 = vector.load %arg7[%swap3A, %swap3A_30] : memref<400x16xf32, #tpu.memory_space<vmem>>, vector<400x16xf32>
    tpu.vector_store %arg7[%swap3A, %swap3A_30], %div3A_29 {strides = array<i32>} : memref<400x16xf32, #tpu.memory_space<vmem>>, vector<400x16xf32>,
    return
  }
  func.func @transform_0(%arg0: i32) -> (i32, i32) {
    %c0_i32 = arith.constant 0 : i32
    %c0_i32_0 = arith.constant 0 : i32
    return %arg0, %c0_i32 : i32, i32
  }
  func.func @transform_1(%arg0: i32) -> (i32, i32) {
    %c0_i32 = arith.constant 0 : i32
    %c0_i32_0 = arith.constant 0 : i32
    return %arg0, %c0_i32 : i32, i32
  }
  func.func @transform_2(%arg0: i32) -> (i32, i32) {
    %c0_i32 = arith.constant 0 : i32
    %c0_i32_0 = arith.constant 0 : i32
    return %arg0, %c0_i32 : i32, i32
  }
  func.func @transform_3(%arg0: i32) -> (i32, i32) {
    %c0_i32 = arith.constant 0 : i32
    %c0_i32_0 = arith.constant 0 : i32
    %c0_i32_1 = arith.constant 0 : i32
    return %c0_i32, %c0_i32_0 : i32, i32
  }
  func.func @transform_4(%arg0: i32) -> (i32, i32) {
    %c0_i32 = arith.constant 0 : i32
    %c0_i32_0 = arith.constant 0 : i32
    %c0_i32_1 = arith.constant 0 : i32
    return %c0_i32, %c0_i32_0 : i32, i32
  }
  func.func @transform_5(%arg0: i32) -> (i32, i32) {
    %c0_i32 = arith.constant 0 : i32
    %c0_i32_0 = arith.constant 0 : i32
    %c0_i32_1 = arith.constant 0 : i32
    return %c0_i32, %c0_i32_0 : i32, i32
  }
  func.func @transform_6(%arg0: i32) -> (i32, i32) {
    %c0_i32 = arith.constant 0 : i32
    %c0_i32_0 = arith.constant 0 : i32
    return %arg0, %c0_i32 : i32, i32
  }
}

</mosaic_0001>

<sc_bundles>
// kernel: kernel.11.cloned.1.call-start
scs
__scs_entry_jumppad:
0x0: {  	(pc) =	sbr.rel $0x88, $3  }
0x1: {  	(tag) =	ssettag $0x0;
	lr =	simm.s32 $0x1  }
0x2: {  	[smem:$0x3F96] =	sst lr;
	_ =	strace $0xD0000000  }
0x3: {  	_ = 	snop  }
0x4: {  	_ = 	snop  }
0x5: {  	_ = 	snop  }
0x6: {  	_ = 	snop  }
0x7: {  	_ = 	snop  }
__scs_overlays_trampoline_lowered:
0x8: {  	[smem:$0x3FA5] =	sst s0  }
0x9: {  	[smem:$0x3FA6] =	sst s1  }
0xa: {  	[smem:$0x3FA7] =	sst s2  }
0xb: {  	[smem:$0x3FA8] =	sst s3  }
0xc: {  	[smem:$0x3FA9] =	sst s4  }
0xd: {  	[smem:$0x3FAA] =	sst s5  }
0xe: {  	[smem:$0x3FAB] =	sst s6  }
0xf: {  	[smem:$0x3FAC] =	sst s7  }
0x10: {  	[smem:$0x3FAD] =	sst s8  }
0x11: {  	[smem:$0x3FAE] =	sst s9;
	s0 =	simm.s32 @!p0 $0x0  }
0x12: {  	s1 =	sld [smem:$0x3F94];
	s0 =	simm.s32 @p0 $0x1  }
0x13: {  	[smem:$0x3FAF] =	sst s0;
	s0 =	simm.s32 @!p1 $0x0  }
0x14: {  	s2 =	sld [smem:$0x3F93];
	s0 =	simm.s32 @p1 $0x1  }
0x15: {  	[smem:$0x3FB0] =	sst s0;
	s0 =	simm.s32 @!p2 $0x0  }
0x16: {  	s3 =	sld [smem:$0x3FDB];
	s0 =	simm.s32 @p2 $0x1  }
0x17: {  	s4 =	simm.s32 $0x1BF5;
	[smem:$0x3FB2] =	sst s0  }
0x18: {  	s0 =	sld [smem:$0x3F95];
	_ =	swait.ge [sflag:s4], $0x0  }
0x19: {  	s7 =	sld [smem:$0x3F96]  }
0x1a: {  	s8 =	sadd.s32 $0xFFFFE003, lr  }
0x1b: {  	s9 =	sadd.s32 $0xFFFFFEF7, lr;
	s5 =	simm.s32 $0xFFFFFFFF;
	p2 =	slt.u32 s8, $0xFFFFF086  }
0x1c: {  	p1 =	slt.u32 s9, $0xF7A;
	s5 =	simm.s32 @!p2 $0x0  }
0x1d: {  	s5 =	simm.s32 @p1 $0x1;
	p0 =	seq.s32 s7, s2  }
0x1e: {  	s7 =	smul.u32 @!p0 $0xF7A, s2;
	p2 =	seq.s32 @!p0 s5, $0x0  }
0x1f: {  	s9 =	smul.u32 $0xF7A, s1;
	s8 =	simm.s32 @!p0 $0x1BF5;
	p2 =	por !p2, p0  }
0x20: {  	[sflag:s8] =	ssyncset.s32 @!p0 $0xFFFFF086;
	s6 =	sadd.s32 @!p0 s3, s7;
	s7 =	simm.s32 @!p0 $0x108  }
0x21: {  	s3 =	sadd.s32 s3, s9;
	s6 =	sadd.s32 @!p0 $0x88, s6;
	s7 =	simm.s32 @p2 $0x1082  }
0x22: {  	[simem:s7], [sflag:s8] =	dma.local @!p0 [hbm:s6], $0xF7A  }
0x23: {  	s9 =	sor.u32 $0xD0000000, s2;
	s6 =	simm.s32 $0x108;
	_ =	swait.ge @!p0 [sflag:s8], $0x0  }
0x24: {  	s3 =	sadd.s32 $0x88, s3;
	s6 =	simm.s32 @!p1 $0x1082;
	[sflag:s4] =	ssyncset.s32 $0xFFFFF086  }
0x25: {  	[simem:s6], [sflag:s4] =	dma.local [hbm:s3], $0xF7A  }
0x26: {  	[smem:$0x3F96] =	sst s1;
	(tag) =	ssettag s2;
	_ =	strace s9  }
0x27: {  	s1 =	sld [smem:$0x3FA6]  }
0x28: {  	s2 =	sld [smem:$0x3FA7]  }
0x29: {  	s4 =	sld [smem:$0x3FA9]  }
0x2a: {  	p0 =	seq.s32 s5, $0x0;
	s5 =	sld [smem:$0x3FAA]  }
0x2b: {  	s6 =	sld [smem:$0x3FAB]  }
0x2c: {  	s7 =	sld [smem:$0x3FAC]  }
0x2d: {  	s3 =	simm.s32 $0x108;
	s8 =	sld [smem:$0x3FAD]  }
0x2e: {  	s3 =	simm.s32 @!p0 $0x1082;
	s9 =	sld [smem:$0x3FAE]  }
0x2f: {  	lr =	sadd.s32 s0, s3;
	s0 =	sld [smem:$0x3FA5]  }
0x30: {  	s3 =	sld [smem:$0x3FA8]  }
0x31: {  	[smem:$0x3FB1] =	sst s10  }
0x32: {  	s10 =	sld [smem:$0x3FAF];
	_ =	sdelay $0x3  }
0x33: {  	p0 =	seq.s32 s10, $0x1;
	s10 =	sld [smem:$0x3FB1];
	_ =	sdelay $0x3  }
0x34: {  	[smem:$0x3FB1] =	sst s10  }
0x35: {  	s10 =	sld [smem:$0x3FB0];
	_ =	sdelay $0x3  }
0x36: {  	p1 =	seq.s32 s10, $0x1;
	s10 =	sld [smem:$0x3FB1];
	_ =	sdelay $0x3  }
0x37: {  	[smem:$0x3FB1] =	sst s10  }
0x38: {  	s10 =	sld [smem:$0x3FB2]  }
0x39: {  	_ = 	snop;
	(pc) =	sbr.ind lr, $3  }
0x3a: {  	_ = 	snop  }
0x3b: {  	_ = 	snop  }
0x3c: {  	p2 =	seq.s32 s10, $0x1;
	s10 =	sld [smem:$0x3FB1]  }
0x3d: {  	_ =	shalt  }
0x3e: {  	_ =	shalt  }
0x3f: {  	_ =	shalt  }
0x40: {  	_ =	shalt  }
0x41: {  	_ =	shalt  }
0x42: {  	_ =	shalt  }
0x43: {  	_ =	shalt  }
0x44: {  	_ =	shalt  }
0x45: {  	_ =	shalt  }
0x46: {  	_ =	shalt  }
0x47: {  	_ =	shalt  }
0x48: {  	_ =	shalt  }
0x49: {  	_ =	shalt  }
0x4a: {  	_ =	shalt  }
0x4b: {  	_ =	shalt  }
0x4c: {  	_ =	shalt  }
0x4d: {  	_ =	shalt  }
0x4e: {  	_ =	shalt  }
0x4f: {  	_ =	shalt  }
0x50: {  	_ =	shalt  }
0x51: {  	_ =	shalt  }
0x52: {  	_ =	shalt  }
0x53: {  	_ =	shalt  }
0x54: {  	_ =	shalt  }
0x55: {  	_ =	shalt  }
0x56: {  	_ =	shalt  }
0x57: {  	_ =	shalt  }
0x58: {  	_ =	shalt  }
0x59: {  	_ =	shalt  }
0x5a: {  	_ =	shalt  }
0x5b: {  	_ =	shalt  }
0x5c: {  	_ =	shalt  }
0x5d: {  	_ =	shalt  }
0x5e: {  	_ =	shalt  }
0x5f: {  	_ =	shalt  }
0x60: {  	_ =	shalt  }
0x61: {  	_ =	shalt  }
0x62: {  	_ =	shalt  }
0x63: {  	_ =	shalt  }
0x64: {  	_ =	shalt  }
0x65: {  	_ =	shalt  }
0x66: {  	_ =	shalt  }
0x67: {  	_ =	shalt  }
0x68: {  	_ =	shalt  }
0x69: {  	_ =	shalt  }
0x6a: {  	_ =	shalt  }
0x6b: {  	_ =	shalt  }
0x6c: {  	_ =	shalt  }
0x6d: {  	_ =	shalt  }
0x6e: {  	_ =	shalt  }
0x6f: {  	_ =	shalt  }
0x70: {  	_ =	shalt  }
0x71: {  	_ =	shalt  }
0x72: {  	_ =	shalt  }
0x73: {  	_ =	shalt  }
0x74: {  	_ =	shalt  }
0x75: {  	_ =	shalt  }
0x76: {  	_ =	shalt  }
0x77: {  	_ =	shalt  }
0x78: {  	_ =	shalt  }
0x79: {  	_ =	shalt  }
0x7a: {  	_ =	shalt  }
0x7b: {  	_ =	shalt  }
0x7c: {  	_ =	shalt  }
0x7d: {  	_ =	shalt  }
0x7e: {  	_ =	shalt  }
0x7f: {  	_ =	shalt  }
0x80: {  	_ =	shalt  }
0x81: {  	_ =	shalt  }
0x82: {  	_ =	shalt  }
0x83: {  	_ =	shalt  }
0x84: {  	_ =	shalt  }
0x85: {  	_ =	shalt  }
0x86: {  	_ =	shalt  }
0x87: {  	_ =	shalt  }
.Lfunc_end0:
.L_simem_size_0:
called_computation.1_lowered:
.L_overlay_start_0:
0x88: {  	s2 =	sld [smem:$0x3FD9]  }
0x89: {  	s3 =	sld [smem:$0x3FFE];
	_ =	sdelay $0x1  }
0x8a: {  	s1 =	srdreg.scid  }
0x8b: {  	s0 =	sand.u32 $0x1, s1  }
0x8c: {  	s16 =	sshll.u32 s0, $0xA;
	s2 =	sadd.s32 s3, s2  }
0x8d: {  	s2 =	sadd.s32 s2, s16  }
0x8e: {  	[smem:$0x3FBD] =	sst s2  }
0x8f: {  	_ = 	snop  }
0x90: {  	(tm) =	ssettm $0x1  }
0x91: {  	s17 =	sld [smem:$0x3FFB];
	_ =	sdelay $0x3  }
0x92: {  	_ =	strace s17  }
0x93: {  	s2 =	sld [smem:$0x3FFC];
	_ =	sdelay $0x3  }
0x94: {  	_ =	strace s2  }
0x95: {  	s2 =	sld [smem:$0x3FFD];
	_ =	sdelay $0x3  }
0x96: {  	_ =	strace s2  }
0x97: {  	_ =	strace $0x8FFFFFFF  }
0x98: {  	s18 =	sld [smem:$0x3FDB];
	_ =	sdelay $0x1  }
0x99: {  	s19 =	simm.s32 $_scs_section_size  }
0x9a: {  	s4 =	simm.s32 $_size__tile_overlayer_lowered;
	s5 =	simm.s32 $_tile_overlayer_lowered  }
0x9b: {  	s22 =	simm.s32 $0x1BFF;
	s21 =	sshll.u32 s5, $0x1;
	s2 =	sadd.s32 s19, s18  }
0x9c: {  	s6 =	simm.s32 $0x0;
	s20 =	sshll.u32 s4, $0x1;
	s4 =	sadd.s32 s21, s2  }
0x9d: {  	[timem:s6], [sflag:s22] =	dma.local [hbm:s4], s20  }
0x9e: {  	_ =	swait.ge [sflag:s22], s20  }
0x9f: {  	s3 =	ssub.s32 $0x0, s20;
	[sflag:s22] =	ssyncset.done $0x0  }
0xa0: {  	[sflag:s22] =	ssyncadd.s32 s3;
	_ =	sdelay $0x1  }
0xa1: {  	s23 =	simm.s32 $0x1B8B  }
0xa2: {  	_ =	swait.ge [sflag:s23], $0x1  }
0xa3: {  	[sflag:s23] =	ssyncset.done $0x0  }
0xa4: {  	s25 =	simm.s32 $0x1B8E;
	s24 =	sld [smem:$0x3FFE];
	[sflag:s23] =	ssyncadd.s32 $0xFFFFFFFF  }
0xa5: {  	s26 =	simm.s32 $execute0_lowered;
	[smem:$0x3FD2] =	sst s25  }
0xa6: {  	s4 =	sshll.u32 s26, $0x1;
	_ =	strace $0x80000049;
	[dreg:$0x1] =	wrdreg $0xFFFFFFFF  }
0xa7: {  	s28 =	simm.s32 $_size_execute0_lowered;
	s2 =	sadd.s32 s2, s4;
	[dreg:$0x0] =	wrdreg $0x0  }
0xa8: {  	s4 =	sshll.u32 s28, $0x1;
	[dreg:$0x2] =	wrdreg s2  }
0xa9: {  	[dreg:$0x3] =	wrdreg s4  }
0xaa: {  	[dreg:$0x4] =	wrdreg $0xC0  }
0xab: {  	_ =	task [dreg:s6], $0x5FFFF  }
0xac: {  	[dreg:$0x1] =	wrdreg $0xFFFFFFFF  }
0xad: {  	[dreg:$0x0] =	wrdreg $0x60  }
0xae: {  	[dreg:$0x2] =	wrdreg s24  }
0xaf: {  	[dreg:$0x3] =	wrdreg $0xCE000  }
0xb0: {  	[dreg:$0x4] =	wrdreg $0x9  }
0xb1: {  	_ =	task.clear_ibuf [dreg:s6], $0x5FFFF;
	_ =	strace $0x90000049  }
0xb2: {  	s29 =	simm.s32 $0x9;
	_ =	strace $0x8000004B  }
0xb3: {  	_ =	swait.ge [sflag:s29], $0x1  }
0xb4: {  	[sflag:s29] =	ssyncadd.s32 $0xFFFFFFFF  }
0xb5: {  	_ =	strace $0x9000004B  }
0xb6: {  	_ =	sfence  }
0xb7: {  	s30 =	sld [smem:$0x0];
	_ =	sdelay $0x2  }
0xb8: {  	s31 =	sshll.u32 s1, $0xD;
	s1 =	sshrl.u32 s1, $0x2  }
0xb9: {  	s3 =	sand.u32 $0x4000, s31;
	s1 =	sadd.s32 s1, s30  }
0xba: {  	s0 =	sor.u32 s3, s0;
	s1 =	sshll.u32 s1, $0x11  }
0xbb: {  	s0 =	sor.u32 s1, s0  }
0xbc: {  	s0 =	sadd.s32 $0x8F2B, s0  }
0xbd: {  	[sflag:s0] =	ssyncadd.remote.s32 $0x1  }
0xbe: {  	_ =	sfence.sel $0xFFFF  }
0xbf: {  	[dreg:$0x0] =	wrdreg $0xFFFFFFFF;
	(pc) =	sbr.abs _section_cstart, $3  }
0xc0: {  	[dreg:$0x1] =	wrdreg $0xFFFFFFFF  }
0xc1: {  	_ =	task.clear_ibuf [dreg:s6], $0x2FFFF;
	_ =	strace $0x9FFFFFFF  }
0xc2: {  	(tm) =	ssettm $0x7FFFFFFF  }
0xc3: {  	_ =	shalt  }
tec
execute0_lowered:
.L_overlay_start_1:
0x0: {  	(tag) =	ssettag $0x1  }
0x1: {  	s7 =	rddreg [dreg:$0x0];
	s0 =	srdreg.scid  }
0x2: {  	s2 =	rddreg [dreg:$0x1];
	s1 =	stileid.u32  }
0x3: {  	s3 =	simm.s32 $0x0;
	s12 =	simm.s32 $0x2;
	s13 =	simm.s32 $0x200  }
0x4: {  	s14 =	simm.s32 $0x190;
	s15 =	simm.s32 $0x1;
	s16 =	simm.s32 $0x400  }
0x5: {  	s8 =	sand.u32 $0x1, s0;
	s0 =	rddreg [dreg:$0x2];
	s6 =	smul.u32 $0xA000, s1  }
0x6: {  	s19 =	simm.s32 $0x0;
	[smem:$0x7FF] =	sst s3;
	s10 =	smul.u32 $0x28000, s1  }
0x7: {  	s4 =	sadd.s32 $0x18400, s7;
	s18 =	sshll.u32 s1, $0x6;
	s5 =	smul.u32 $0xA0000, s8  }
0x8: {  	_ =	strace $0x8000004A;
	s31 =	ssub.s32 $0x2, s8;
	s17 =	smul.u32 $0xFFFFEC78, s8  }
0x9: {  	s8 =	smul.u32 $0x4E20, s1;
	s11 =	sshrl.u32 s31, $0x1;
	s10 =	sshrl.u32 s10, $0x2  }
0xa: {  	s6 =	sadd.s32 s6, s5;
	s5 =	sadd.s32 $0x4800, s7;
	s11 =	ssub.s32 s31, s11  }
0xb: {  	v0 =	vmov s17;
	s17 =	sor.u32 $0x1C02, s18;
	s9 =	sshrl.u32 s6, $0x3;
	s6 =	sadd.s32 $0xE600, s7  }
0xc: {  	s9 =	sadd.s32 s9, s7;
	s7 =	sadd.s32 s10, s2;
	s10 =	smax.u32 s11, $0x1  }
0xd: {  	v1 =	vimm.f32 $0.0e+00;
	s11 =	simm.s32 $0x600;
	s9 =	sadd.s32 $0x8DA00, s9;
	s18 =	sshrl.u32 s7, $0x3  }
.LBB2_1:
0xe: {  	s20 =	simm.s32 $0x0;
	s21 =	simm.s32 $0x200  }
.LBB2_2:
0xf: {  	p0 =	sne.s32 s21, $0x27E00;
	[tilespmem:s20+$0x670] =	vst v1  }
0x10: {  	[tilespmem:s20+$0x600] =	vst v1  }
0x11: {  	[tilespmem:s20+$0x610] =	vst v1  }
.Ltmp0:
0x12: {  	[tilespmem:s20+$0x620] =	vst v1;
	(pc) =	sbr.rel @p0 .LBB2_2-.Ltmp0, $4  }
0x13: {  	[tilespmem:s20+$0x630] =	vst v1  }
0x14: {  	[tilespmem:s20+$0x640] =	vst v1  }
0x15: {  	[tilespmem:s20+$0x650] =	vst v1  }
0x16: {  	[tilespmem:s20+$0x660] =	vst v1;
	s20 =	sshra.s32 s21, $0x2;
	s21 =	sadd.s32 $0x200, s21  }
0x17: {  	[tilespmem:s20+$0x670] =	vst v1  }
0x18: {  	[tilespmem:s20+$0x600] =	vst v1  }
0x19: {  	[tilespmem:s20+$0x610] =	vst v1  }
0x1a: {  	[tilespmem:s20+$0x620] =	vst v1  }
0x1b: {  	[tilespmem:s20+$0x630] =	vst v1  }
0x1c: {  	[tilespmem:s20+$0x640] =	vst v1  }
0x1d: {  	[tilespmem:s20+$0x650] =	vst v1  }
0x1e: {  	[tilespmem:s20+$0x660] =	vst v1  }
0x1f: {  	[spmem:s7] =	stream.linear.scatter [tilespmem:s11], [sflag:$0x2], $0xA000, $0x38;
	[tilespmem:$0x16E00] =	vst v63  }
0x20: {  	_ =	swait.ge [sflag:s12], $0xA000  }
0x21: {  	[sflag:s12] =	ssyncset.done $0x0  }
0x22: {  	[sflag:s12] =	ssyncadd.s32 $0xFFFF6000  }
0x23: {  	s20 =	simm.s32 $0x0;
	s21 =	simm.s32 $0x0;
	[bflag:$0x0] =	sbarrier.arrive $0xFFFF  }
.LBB2_4:
0x24: {  	s22 =	smul.u32 $0x190, s21;
	_ =	sdelay $0x1  }
0x25: {  	s22 =	sadd.s32 s8, s22  }
0x26: {  	s22 =	sshrl.u32 s22, $0x3  }
0x27: {  	s23 =	sadd.s32 s5, s22  }
0x28: {  	[tilespmem:s20], [sflag:$0x2] =	stream.linear.gather [hbm4b:s23+s20], $0x190, $0x38;
	[tilespmem:$0x16E00] =	vst v63  }
0x29: {  	_ =	swait.ge [sflag:s12], $0x190  }
0x2a: {  	[sflag:s12] =	ssyncset.done $0x0  }
0x2b: {  	s22 =	sadd.s32 s6, s22;
	[sflag:s12] =	ssyncadd.s32 $0xFFFFFE70  }
0x2c: {  	[tilespmem:s13], [sflag:$0x2] =	stream.linear.gather [hbm4b:s22+s20], $0x190, $0x38;
	[tilespmem:$0x16E00] =	vst v63  }
0x2d: {  	_ =	swait.ge [sflag:s12], $0x190  }
0x2e: {  	[sflag:s12] =	ssyncset.done $0x0  }
0x2f: {  	s22 =	simm.s32 $0x0;
	[sflag:s12] =	ssyncadd.s32 $0xFFFFFE70  }
0x30: {  	s23 =	simm.s32 $0x40;
	v2 =	vld [tilespmem:s22+$0x200]  }
.LBB2_5:
0x31: {  	_ =	sdelay $0x1  }
0x32: {  	p0 =	sne.s32 s23, $0x600  }
.Ltmp1:
0x33: {  	_ = 	snop;
	(pc) =	sbr.rel @p0 .LBB2_5-.Ltmp1, $4  }
0x34: {  	v3 =	vadd.s32 v0, v2  }
0x35: {  	vm0 =	vlt.u32 v3, $0x1388  }
0x36: {  	s24 =	sshra.s32 s23, $0x2;
	v3 =	vnsel vm0, $0x13FF, v3  }
0x37: {  	s23 =	sadd.s32 $0x40, s23;
	v2 =	vld [tilespmem:s24+$0x200];
	[tilespmem:s22+$0x400] =	vst v3;
	s22 =	smov.u32 s24  }
0x38: {  	_ =	sdelay $0x3  }
0x39: {  	v2 =	vadd.s32 v0, v2  }
0x3a: {  	vm0 =	vlt.u32 v2, $0x1388  }
0x3b: {  	v2 =	vnsel vm0, $0x13FF, v2  }
0x3c: {  	[tilespmem:s22+$0x400] =	vst v2  }
0x3d: {  	[tilespmem:s11], [sflag:$0x1] =	stream.indirect.gather [hbm4b:s4+s14], $0x80, s3, s14, $0xb8;
	[tilespmem:$0x16E00] =	vst v63  }
0x3e: {  	s21 =	sadd.s32 $0x1, s21;
	_ =	swait.ge [sflag:s15], $0xC800  }
0x3f: {  	p0 =	sne.s32 s21, $0x32;
	[sflag:s15] =	ssyncset.done $0x0  }
.Ltmp2:
0x40: {  	[sflag:s15] =	ssyncadd.s32 $0xFFFF3800;
	(pc) =	sbr.rel @p0 .LBB2_4-.Ltmp2, $4  }
0x41: {  	[spmem:s2] =	stream.indirect.scatter.add.f32 [tilespmem:s11], [sflag:$0x2], $0x80, s16, s14, $0xb8;
	[tilespmem:$0x16E00] =	vst v63  }
0x42: {  	_ =	swait.ge [sflag:s12], $0xC800  }
0x43: {  	[sflag:s12] =	ssyncset.done $0x0  }
0x44: {  	[sflag:s12] =	ssyncadd.s32 $0xFFFF3800  }
0x45: {  	s19 =	sadd.s32 $0x1, s19  }
0x46: {  	p0 =	sne.s32 s19, s10  }
.Ltmp3:
0x47: {  	[bflag:$0x0] =	sbarrier.arrive $0xFFFF;
	(pc) =	sbr.rel @p0 .LBB2_1-.Ltmp3, $4  }
0x48: {  	[hbm:s9], [sflag:s17] =	dma.local [spmem:s18], $0x1400  }
0x49: {  	_ =	swait.ge [sflag:s12], $0x1400  }
0x4a: {  	[sflag:s12] =	ssyncset.done $0x0  }
0x4b: {  	[sflag:s12] =	ssyncadd.s32 $0xFFFFEC00  }
0x4c: {  	_ =	sfence.sel $0x180000  }
0x4d: {  	[bflag:$0x0] =	sbarrier.arrive $0xFFFF  }
0x4e: {  	p0 =	sne.s32 s1, $0x0;
	_ =	strace $0x9000004A  }
0x4f: {  	s0 =	sadd.s32 @!p0 $0x100000, s0;
	[bflag:$0x2] =	sbarrier.arrive $0xFFFF  }
0x50: {  	[sflag:s0] =	ssyncadd.tile.s32 @!p0 $0x1;
	_ =	shalt  }
.Lfunc_end2:
_tile_overlayer_lowered:
.L_overlay_start_2:
0x51: {  	(tag) =	ssettag $0x2  }
0x52: {  	s0 =	rddreg [dreg:$0x0];
	s2 =	stileid.u32  }
0x53: {  	s1 =	rddreg [dreg:$0x1];
	p0 =	sne.s32 s2, $0x0  }
0x54: {  	s3 =	rddreg [dreg:$0x2];
	[bflag:$0x3] =	sbarrier.arrive $0xFFFF;
	s2 =	simm.s32 @!p0 $0x1C02  }
0x55: {  	[timem:s3], [sflag:s2] =	dma.local @!p0 [hbm:s0], s1  }
0x56: {  	s0 =	simm.s32 @!p0 $0x2  }
0x57: {  	_ =	swait.ge @!p0 [sflag:s0], s1  }
0x58: {  	s1 =	ssub.s32 @!p0 $0x0, s1;
	[sflag:s0] =	ssyncset.done @!p0 $0x0  }
0x59: {  	[sflag:s0] =	ssyncadd.s32 @!p0 s1  }
0x5a: {  	[bflag:$0x3] =	sbarrier.arrive $0xFFFF  }
0x5b: {  	_ =	shalt  }

// kernel: kernel.14.cloned.1.call-start
scs
__scs_entry_jumppad:
0x0: {  	(pc) =	sbr.rel $0x88, $3  }
0x1: {  	(tag) =	ssettag $0x0;
	lr =	simm.s32 $0x1  }
0x2: {  	[smem:$0x3F96] =	sst lr;
	_ =	strace $0xD0000000  }
0x3: {  	_ = 	snop  }
0x4: {  	_ = 	snop  }
0x5: {  	_ = 	snop  }
0x6: {  	_ = 	snop  }
0x7: {  	_ = 	snop  }
__scs_overlays_trampoline_lowered:
0x8: {  	[smem:$0x3FA5] =	sst s0  }
0x9: {  	[smem:$0x3FA6] =	sst s1  }
0xa: {  	[smem:$0x3FA7] =	sst s2  }
0xb: {  	[smem:$0x3FA8] =	sst s3  }
0xc: {  	[smem:$0x3FA9] =	sst s4  }
0xd: {  	[smem:$0x3FAA] =	sst s5  }
0xe: {  	[smem:$0x3FAB] =	sst s6  }
0xf: {  	[smem:$0x3FAC] =	sst s7  }
0x10: {  	[smem:$0x3FAD] =	sst s8  }
0x11: {  	[smem:$0x3FAE] =	sst s9;
	s0 =	simm.s32 @!p0 $0x0  }
0x12: {  	s1 =	sld [smem:$0x3F94];
	s0 =	simm.s32 @p0 $0x1  }
0x13: {  	[smem:$0x3FAF] =	sst s0;
	s0 =	simm.s32 @!p1 $0x0  }
0x14: {  	s2 =	sld [smem:$0x3F93];
	s0 =	simm.s32 @p1 $0x1  }
0x15: {  	[smem:$0x3FB0] =	sst s0;
	s0 =	simm.s32 @!p2 $0x0  }
0x16: {  	s3 =	sld [smem:$0x3FDB];
	s0 =	simm.s32 @p2 $0x1  }
0x17: {  	s4 =	simm.s32 $0x1BF5;
	[smem:$0x3FB2] =	sst s0  }
0x18: {  	s0 =	sld [smem:$0x3F95];
	_ =	swait.ge [sflag:s4], $0x0  }
0x19: {  	s7 =	sld [smem:$0x3F96]  }
0x1a: {  	s8 =	sadd.s32 $0xFFFFE003, lr  }
0x1b: {  	s9 =	sadd.s32 $0xFFFFFEF7, lr;
	s5 =	simm.s32 $0xFFFFFFFF;
	p2 =	slt.u32 s8, $0xFFFFF086  }
0x1c: {  	p1 =	slt.u32 s9, $0xF7A;
	s5 =	simm.s32 @!p2 $0x0  }
0x1d: {  	s5 =	simm.s32 @p1 $0x1;
	p0 =	seq.s32 s7, s2  }
0x1e: {  	s7 =	smul.u32 @!p0 $0xF7A, s2;
	p2 =	seq.s32 @!p0 s5, $0x0  }
0x1f: {  	s9 =	smul.u32 $0xF7A, s1;
	s8 =	simm.s32 @!p0 $0x1BF5;
	p2 =	por !p2, p0  }
0x20: {  	[sflag:s8] =	ssyncset.s32 @!p0 $0xFFFFF086;
	s6 =	sadd.s32 @!p0 s3, s7;
	s7 =	simm.s32 @!p0 $0x108  }
0x21: {  	s3 =	sadd.s32 s3, s9;
	s6 =	sadd.s32 @!p0 $0x88, s6;
	s7 =	simm.s32 @p2 $0x1082  }
0x22: {  	[simem:s7], [sflag:s8] =	dma.local @!p0 [hbm:s6], $0xF7A  }
0x23: {  	s9 =	sor.u32 $0xD0000000, s2;
	s6 =	simm.s32 $0x108;
	_ =	swait.ge @!p0 [sflag:s8], $0x0  }
0x24: {  	s3 =	sadd.s32 $0x88, s3;
	s6 =	simm.s32 @!p1 $0x1082;
	[sflag:s4] =	ssyncset.s32 $0xFFFFF086  }
0x25: {  	[simem:s6], [sflag:s4] =	dma.local [hbm:s3], $0xF7A  }
0x26: {  	[smem:$0x3F96] =	sst s1;
	(tag) =	ssettag s2;
	_ =	strace s9  }
0x27: {  	s1 =	sld [smem:$0x3FA6]  }
0x28: {  	s2 =	sld [smem:$0x3FA7]  }
0x29: {  	s4 =	sld [smem:$0x3FA9]  }
0x2a: {  	p0 =	seq.s32 s5, $0x0;
	s5 =	sld [smem:$0x3FAA]  }
0x2b: {  	s6 =	sld [smem:$0x3FAB]  }
0x2c: {  	s7 =	sld [smem:$0x3FAC]  }
0x2d: {  	s3 =	simm.s32 $0x108;
	s8 =	sld [smem:$0x3FAD]  }
0x2e: {  	s3 =	simm.s32 @!p0 $0x1082;
	s9 =	sld [smem:$0x3FAE]  }
0x2f: {  	lr =	sadd.s32 s0, s3;
	s0 =	sld [smem:$0x3FA5]  }
0x30: {  	s3 =	sld [smem:$0x3FA8]  }
0x31: {  	[smem:$0x3FB1] =	sst s10  }
0x32: {  	s10 =	sld [smem:$0x3FAF];
	_ =	sdelay $0x3  }
0x33: {  	p0 =	seq.s32 s10, $0x1;
	s10 =	sld [smem:$0x3FB1];
	_ =	sdelay $0x3  }
0x34: {  	[smem:$0x3FB1] =	sst s10  }
0x35: {  	s10 =	sld [smem:$0x3FB0];
	_ =	sdelay $0x3  }
0x36: {  	p1 =	seq.s32 s10, $0x1;
	s10 =	sld [smem:$0x3FB1];
	_ =	sdelay $0x3  }
0x37: {  	[smem:$0x3FB1] =	sst s10  }
0x38: {  	s10 =	sld [smem:$0x3FB2]  }
0x39: {  	_ = 	snop;
	(pc) =	sbr.ind lr, $3  }
0x3a: {  	_ = 	snop  }
0x3b: {  	_ = 	snop  }
0x3c: {  	p2 =	seq.s32 s10, $0x1;
	s10 =	sld [smem:$0x3FB1]  }
0x3d: {  	_ =	shalt  }
0x3e: {  	_ =	shalt  }
0x3f: {  	_ =	shalt  }
0x40: {  	_ =	shalt  }
0x41: {  	_ =	shalt  }
0x42: {  	_ =	shalt  }
0x43: {  	_ =	shalt  }
0x44: {  	_ =	shalt  }
0x45: {  	_ =	shalt  }
0x46: {  	_ =	shalt  }
0x47: {  	_ =	shalt  }
0x48: {  	_ =	shalt  }
0x49: {  	_ =	shalt  }
0x4a: {  	_ =	shalt  }
0x4b: {  	_ =	shalt  }
0x4c: {  	_ =	shalt  }
0x4d: {  	_ =	shalt  }
0x4e: {  	_ =	shalt  }
0x4f: {  	_ =	shalt  }
0x50: {  	_ =	shalt  }
0x51: {  	_ =	shalt  }
0x52: {  	_ =	shalt  }
0x53: {  	_ =	shalt  }
0x54: {  	_ =	shalt  }
0x55: {  	_ =	shalt  }
0x56: {  	_ =	shalt  }
0x57: {  	_ =	shalt  }
0x58: {  	_ =	shalt  }
0x59: {  	_ =	shalt  }
0x5a: {  	_ =	shalt  }
0x5b: {  	_ =	shalt  }
0x5c: {  	_ =	shalt  }
0x5d: {  	_ =	shalt  }
0x5e: {  	_ =	shalt  }
0x5f: {  	_ =	shalt  }
0x60: {  	_ =	shalt  }
0x61: {  	_ =	shalt  }
0x62: {  	_ =	shalt  }
0x63: {  	_ =	shalt  }
0x64: {  	_ =	shalt  }
0x65: {  	_ =	shalt  }
0x66: {  	_ =	shalt  }
0x67: {  	_ =	shalt  }
0x68: {  	_ =	shalt  }
0x69: {  	_ =	shalt  }
0x6a: {  	_ =	shalt  }
0x6b: {  	_ =	shalt  }
0x6c: {  	_ =	shalt  }
0x6d: {  	_ =	shalt  }
0x6e: {  	_ =	shalt  }
0x6f: {  	_ =	shalt  }
0x70: {  	_ =	shalt  }
0x71: {  	_ =	shalt  }
0x72: {  	_ =	shalt  }
0x73: {  	_ =	shalt  }
0x74: {  	_ =	shalt  }
0x75: {  	_ =	shalt  }
0x76: {  	_ =	shalt  }
0x77: {  	_ =	shalt  }
0x78: {  	_ =	shalt  }
0x79: {  	_ =	shalt  }
0x7a: {  	_ =	shalt  }
0x7b: {  	_ =	shalt  }
0x7c: {  	_ =	shalt  }
0x7d: {  	_ =	shalt  }
0x7e: {  	_ =	shalt  }
0x7f: {  	_ =	shalt  }
0x80: {  	_ =	shalt  }
0x81: {  	_ =	shalt  }
0x82: {  	_ =	shalt  }
0x83: {  	_ =	shalt  }
0x84: {  	_ =	shalt  }
0x85: {  	_ =	shalt  }
0x86: {  	_ =	shalt  }
0x87: {  	_ =	shalt  }
.Lfunc_end0:
.L_simem_size_0:
called_computation.2_lowered:
.L_overlay_start_0:
0x88: {  	s2 =	sld [smem:$0x3FD9]  }
0x89: {  	s3 =	sld [smem:$0x3FFE];
	_ =	sdelay $0x1  }
0x8a: {  	s1 =	srdreg.scid  }
0x8b: {  	s0 =	sand.u32 $0x1, s1  }
0x8c: {  	s16 =	sshll.u32 s0, $0xA;
	s2 =	sadd.s32 s3, s2  }
0x8d: {  	s2 =	sadd.s32 s2, s16  }
0x8e: {  	[smem:$0x3FBD] =	sst s2  }
0x8f: {  	_ = 	snop  }
0x90: {  	(tm) =	ssettm $0x1  }
0x91: {  	s17 =	sld [smem:$0x3FFB];
	_ =	sdelay $0x3  }
0x92: {  	_ =	strace s17  }
0x93: {  	s2 =	sld [smem:$0x3FFC];
	_ =	sdelay $0x3  }
0x94: {  	_ =	strace s2  }
0x95: {  	s2 =	sld [smem:$0x3FFD];
	_ =	sdelay $0x3  }
0x96: {  	_ =	strace s2  }
0x97: {  	_ =	strace $0x8FFFFFFF  }
0x98: {  	s18 =	sld [smem:$0x3FDB];
	_ =	sdelay $0x1  }
0x99: {  	s19 =	simm.s32 $_scs_section_size  }
0x9a: {  	s4 =	simm.s32 $_size__tile_overlayer_lowered;
	s5 =	simm.s32 $_tile_overlayer_lowered  }
0x9b: {  	s22 =	simm.s32 $0x1BFF;
	s21 =	sshll.u32 s5, $0x1;
	s2 =	sadd.s32 s19, s18  }
0x9c: {  	s6 =	simm.s32 $0x0;
	s20 =	sshll.u32 s4, $0x1;
	s4 =	sadd.s32 s21, s2  }
0x9d: {  	[timem:s6], [sflag:s22] =	dma.local [hbm:s4], s20  }
0x9e: {  	_ =	swait.ge [sflag:s22], s20  }
0x9f: {  	s3 =	ssub.s32 $0x0, s20;
	[sflag:s22] =	ssyncset.done $0x0  }
0xa0: {  	[sflag:s22] =	ssyncadd.s32 s3;
	_ =	sdelay $0x1  }
0xa1: {  	s23 =	simm.s32 $0x1B8B  }
0xa2: {  	_ =	swait.ge [sflag:s23], $0x1  }
0xa3: {  	[sflag:s23] =	ssyncset.done $0x0  }
0xa4: {  	s25 =	simm.s32 $0x1B8E;
	s24 =	sld [smem:$0x3FFE];
	[sflag:s23] =	ssyncadd.s32 $0xFFFFFFFF  }
0xa5: {  	s26 =	simm.s32 $execute0_lowered;
	[smem:$0x3FD2] =	sst s25  }
0xa6: {  	s4 =	sshll.u32 s26, $0x1;
	_ =	strace $0x8000004C;
	[dreg:$0x1] =	wrdreg $0xFFFFFFFF  }
0xa7: {  	s28 =	simm.s32 $_size_execute0_lowered;
	s2 =	sadd.s32 s2, s4;
	[dreg:$0x0] =	wrdreg $0x0  }
0xa8: {  	s4 =	sshll.u32 s28, $0x1;
	[dreg:$0x2] =	wrdreg s2  }
0xa9: {  	[dreg:$0x3] =	wrdreg s4  }
0xaa: {  	[dreg:$0x4] =	wrdreg $0xC0  }
0xab: {  	_ =	task [dreg:s6], $0x5FFFF  }
0xac: {  	[dreg:$0x1] =	wrdreg $0xFFFFFFFF  }
0xad: {  	[dreg:$0x0] =	wrdreg $0x60  }
0xae: {  	[dreg:$0x2] =	wrdreg s24  }
0xaf: {  	[dreg:$0x3] =	wrdreg $0xCE000  }
0xb0: {  	[dreg:$0x4] =	wrdreg $0x9  }
0xb1: {  	_ =	task.clear_ibuf [dreg:s6], $0x5FFFF;
	_ =	strace $0x9000004C  }
0xb2: {  	s29 =	simm.s32 $0x9;
	_ =	strace $0x8000004E  }
0xb3: {  	_ =	swait.ge [sflag:s29], $0x1  }
0xb4: {  	[sflag:s29] =	ssyncadd.s32 $0xFFFFFFFF  }
0xb5: {  	_ =	strace $0x9000004E  }
0xb6: {  	_ =	sfence  }
0xb7: {  	s30 =	sld [smem:$0x0];
	_ =	sdelay $0x2  }
0xb8: {  	s31 =	sshll.u32 s1, $0xD;
	s1 =	sshrl.u32 s1, $0x2  }
0xb9: {  	s3 =	sand.u32 $0x4000, s31;
	s1 =	sadd.s32 s1, s30  }
0xba: {  	s0 =	sor.u32 s3, s0;
	s1 =	sshll.u32 s1, $0x11  }
0xbb: {  	s0 =	sor.u32 s1, s0  }
0xbc: {  	s0 =	sadd.s32 $0x8F2B, s0  }
0xbd: {  	[sflag:s0] =	ssyncadd.remote.s32 $0x1  }
0xbe: {  	_ =	sfence.sel $0xFFFF  }
0xbf: {  	[dreg:$0x0] =	wrdreg $0xFFFFFFFF;
	(pc) =	sbr.abs _section_cstart, $3  }
0xc0: {  	[dreg:$0x1] =	wrdreg $0xFFFFFFFF  }
0xc1: {  	_ =	task.clear_ibuf [dreg:s6], $0x2FFFF;
	_ =	strace $0x9FFFFFFF  }
0xc2: {  	(tm) =	ssettm $0x7FFFFFFF  }
0xc3: {  	_ =	shalt  }
tec
execute0_lowered:
.L_overlay_start_1:
0x0: {  	(tag) =	ssettag $0x1  }
0x1: {  	s7 =	rddreg [dreg:$0x0];
	s0 =	srdreg.scid  }
0x2: {  	s2 =	rddreg [dreg:$0x1];
	s1 =	stileid.u32  }
0x3: {  	s3 =	simm.s32 $0x0;
	s12 =	simm.s32 $0x2;
	s13 =	simm.s32 $0x200  }
0x4: {  	s14 =	simm.s32 $0x190;
	s15 =	simm.s32 $0x1;
	s16 =	simm.s32 $0x400  }
0x5: {  	s8 =	sand.u32 $0x1, s0;
	s0 =	rddreg [dreg:$0x2];
	s6 =	smul.u32 $0xA000, s1  }
0x6: {  	s19 =	simm.s32 $0x0;
	[smem:$0x7FF] =	sst s3;
	s10 =	smul.u32 $0x28000, s1  }
0x7: {  	s4 =	sadd.s32 $0x18400, s7;
	s18 =	sshll.u32 s1, $0x6;
	s5 =	smul.u32 $0xA0000, s8  }
0x8: {  	_ =	strace $0x8000004D;
	s31 =	ssub.s32 $0x2, s8;
	s17 =	smul.u32 $0xFFFFEC78, s8  }
0x9: {  	s8 =	smul.u32 $0x4E20, s1;
	s11 =	sshrl.u32 s31, $0x1;
	s10 =	sshrl.u32 s10, $0x2  }
0xa: {  	s6 =	sadd.s32 s6, s5;
	s5 =	sadd.s32 $0x4800, s7;
	s11 =	ssub.s32 s31, s11  }
0xb: {  	v0 =	vmov s17;
	s17 =	sor.u32 $0x1C02, s18;
	s9 =	sshrl.u32 s6, $0x3;
	s6 =	sadd.s32 $0xE600, s7  }
0xc: {  	s9 =	sadd.s32 s9, s7;
	s7 =	sadd.s32 s10, s2;
	s10 =	smax.u32 s11, $0x1  }
0xd: {  	v1 =	vimm.f32 $0.0e+00;
	s11 =	simm.s32 $0x600;
	s9 =	sadd.s32 $0x66800, s9;
	s18 =	sshrl.u32 s7, $0x3  }
.LBB2_1:
0xe: {  	s20 =	simm.s32 $0x0;
	s21 =	simm.s32 $0x200  }
.LBB2_2:
0xf: {  	p0 =	sne.s32 s21, $0x27E00;
	[tilespmem:s20+$0x670] =	vst v1  }
0x10: {  	[tilespmem:s20+$0x600] =	vst v1  }
0x11: {  	[tilespmem:s20+$0x610] =	vst v1  }
.Ltmp0:
0x12: {  	[tilespmem:s20+$0x620] =	vst v1;
	(pc) =	sbr.rel @p0 .LBB2_2-.Ltmp0, $4  }
0x13: {  	[tilespmem:s20+$0x630] =	vst v1  }
0x14: {  	[tilespmem:s20+$0x640] =	vst v1  }
0x15: {  	[tilespmem:s20+$0x650] =	vst v1  }
0x16: {  	[tilespmem:s20+$0x660] =	vst v1;
	s20 =	sshra.s32 s21, $0x2;
	s21 =	sadd.s32 $0x200, s21  }
0x17: {  	[tilespmem:s20+$0x670] =	vst v1  }
0x18: {  	[tilespmem:s20+$0x600] =	vst v1  }
0x19: {  	[tilespmem:s20+$0x610] =	vst v1  }
0x1a: {  	[tilespmem:s20+$0x620] =	vst v1  }
0x1b: {  	[tilespmem:s20+$0x630] =	vst v1  }
0x1c: {  	[tilespmem:s20+$0x640] =	vst v1  }
0x1d: {  	[tilespmem:s20+$0x650] =	vst v1  }
0x1e: {  	[tilespmem:s20+$0x660] =	vst v1  }
0x1f: {  	[spmem:s7] =	stream.linear.scatter [tilespmem:s11], [sflag:$0x2], $0xA000, $0x38;
	[tilespmem:$0x16E00] =	vst v63  }
0x20: {  	_ =	swait.ge [sflag:s12], $0xA000  }
0x21: {  	[sflag:s12] =	ssyncset.done $0x0  }
0x22: {  	[sflag:s12] =	ssyncadd.s32 $0xFFFF6000  }
0x23: {  	s20 =	simm.s32 $0x0;
	s21 =	simm.s32 $0x0;
	[bflag:$0x0] =	sbarrier.arrive $0xFFFF  }
.LBB2_4:
0x24: {  	s22 =	smul.u32 $0x190, s21;
	_ =	sdelay $0x1  }
0x25: {  	s22 =	sadd.s32 s8, s22  }
0x26: {  	s22 =	sshrl.u32 s22, $0x3  }
0x27: {  	s23 =	sadd.s32 s5, s22  }
0x28: {  	[tilespmem:s20], [sflag:$0x2] =	stream.linear.gather [hbm4b:s23+s20], $0x190, $0x38;
	[tilespmem:$0x16E00] =	vst v63  }
0x29: {  	_ =	swait.ge [sflag:s12], $0x190  }
0x2a: {  	[sflag:s12] =	ssyncset.done $0x0  }
0x2b: {  	s22 =	sadd.s32 s6, s22;
	[sflag:s12] =	ssyncadd.s32 $0xFFFFFE70  }
0x2c: {  	[tilespmem:s13], [sflag:$0x2] =	stream.linear.gather [hbm4b:s22+s20], $0x190, $0x38;
	[tilespmem:$0x16E00] =	vst v63  }
0x2d: {  	_ =	swait.ge [sflag:s12], $0x190  }
0x2e: {  	[sflag:s12] =	ssyncset.done $0x0  }
0x2f: {  	s22 =	simm.s32 $0x0;
	[sflag:s12] =	ssyncadd.s32 $0xFFFFFE70  }
0x30: {  	s23 =	simm.s32 $0x40;
	v2 =	vld [tilespmem:s22+$0x200]  }
.LBB2_5:
0x31: {  	_ =	sdelay $0x1  }
0x32: {  	p0 =	sne.s32 s23, $0x600  }
.Ltmp1:
0x33: {  	_ = 	snop;
	(pc) =	sbr.rel @p0 .LBB2_5-.Ltmp1, $4  }
0x34: {  	v3 =	vadd.s32 v0, v2  }
0x35: {  	vm0 =	vlt.u32 v3, $0x1388  }
0x36: {  	s24 =	sshra.s32 s23, $0x2;
	v3 =	vnsel vm0, $0x13FF, v3  }
0x37: {  	s23 =	sadd.s32 $0x40, s23;
	v2 =	vld [tilespmem:s24+$0x200];
	[tilespmem:s22+$0x400] =	vst v3;
	s22 =	smov.u32 s24  }
0x38: {  	_ =	sdelay $0x3  }
0x39: {  	v2 =	vadd.s32 v0, v2  }
0x3a: {  	vm0 =	vlt.u32 v2, $0x1388  }
0x3b: {  	v2 =	vnsel vm0, $0x13FF, v2  }
0x3c: {  	[tilespmem:s22+$0x400] =	vst v2  }
0x3d: {  	[tilespmem:s11], [sflag:$0x1] =	stream.indirect.gather [hbm4b:s4+s14], $0x80, s3, s14, $0xb8;
	[tilespmem:$0x16E00] =	vst v63  }
0x3e: {  	s21 =	sadd.s32 $0x1, s21;
	_ =	swait.ge [sflag:s15], $0xC800  }
0x3f: {  	p0 =	sne.s32 s21, $0x32;
	[sflag:s15] =	ssyncset.done $0x0  }
.Ltmp2:
0x40: {  	[sflag:s15] =	ssyncadd.s32 $0xFFFF3800;
	(pc) =	sbr.rel @p0 .LBB2_4-.Ltmp2, $4  }
0x41: {  	[spmem:s2] =	stream.indirect.scatter.add.f32 [tilespmem:s11], [sflag:$0x2], $0x80, s16, s14, $0xb8;
	[tilespmem:$0x16E00] =	vst v63  }
0x42: {  	_ =	swait.ge [sflag:s12], $0xC800  }
0x43: {  	[sflag:s12] =	ssyncset.done $0x0  }
0x44: {  	[sflag:s12] =	ssyncadd.s32 $0xFFFF3800  }
0x45: {  	s19 =	sadd.s32 $0x1, s19  }
0x46: {  	p0 =	sne.s32 s19, s10  }
.Ltmp3:
0x47: {  	[bflag:$0x0] =	sbarrier.arrive $0xFFFF;
	(pc) =	sbr.rel @p0 .LBB2_1-.Ltmp3, $4  }
0x48: {  	[hbm:s9], [sflag:s17] =	dma.local [spmem:s18], $0x1400  }
0x49: {  	_ =	swait.ge [sflag:s12], $0x1400  }
0x4a: {  	[sflag:s12] =	ssyncset.done $0x0  }
0x4b: {  	[sflag:s12] =	ssyncadd.s32 $0xFFFFEC00  }
0x4c: {  	_ =	sfence.sel $0x180000  }
0x4d: {  	[bflag:$0x0] =	sbarrier.arrive $0xFFFF  }
0x4e: {  	p0 =	sne.s32 s1, $0x0;
	_ =	strace $0x9000004D  }
0x4f: {  	s0 =	sadd.s32 @!p0 $0x100000, s0;
	[bflag:$0x2] =	sbarrier.arrive $0xFFFF  }
0x50: {  	[sflag:s0] =	ssyncadd.tile.s32 @!p0 $0x1;
	_ =	shalt  }
.Lfunc_end2:
_tile_overlayer_lowered:
.L_overlay_start_2:
0x51: {  	(tag) =	ssettag $0x2  }
0x52: {  	s0 =	rddreg [dreg:$0x0];
	s2 =	stileid.u32  }
0x53: {  	s1 =	rddreg [dreg:$0x1];
	p0 =	sne.s32 s2, $0x0  }
0x54: {  	s3 =	rddreg [dreg:$0x2];
	[bflag:$0x3] =	sbarrier.arrive $0xFFFF;
	s2 =	simm.s32 @!p0 $0x1C02  }
0x55: {  	[timem:s3], [sflag:s2] =	dma.local @!p0 [hbm:s0], s1  }
0x56: {  	s0 =	simm.s32 @!p0 $0x2  }
0x57: {  	_ =	swait.ge @!p0 [sflag:s0], s1  }
0x58: {  	s1 =	ssub.s32 @!p0 $0x0, s1;
	[sflag:s0] =	ssyncset.done @!p0 $0x0  }
0x59: {  	[sflag:s0] =	ssyncadd.s32 @!p0 s1  }
0x5a: {  	[bflag:$0x3] =	sbarrier.arrive $0xFFFF  }
0x5b: {  	_ =	shalt  }

// kernel: kernel.8.cloned.1.call-start
scs
__scs_entry_jumppad:
0x0: {  	(pc) =	sbr.rel $0x88, $3  }
0x1: {  	(tag) =	ssettag $0x0;
	lr =	simm.s32 $0x1  }
0x2: {  	[smem:$0x3F96] =	sst lr;
	_ =	strace $0xD0000000  }
0x3: {  	_ = 	snop  }
0x4: {  	_ = 	snop  }
0x5: {  	_ = 	snop  }
0x6: {  	_ = 	snop  }
0x7: {  	_ = 	snop  }
__scs_overlays_trampoline_lowered:
0x8: {  	[smem:$0x3FA5] =	sst s0  }
0x9: {  	[smem:$0x3FA6] =	sst s1  }
0xa: {  	[smem:$0x3FA7] =	sst s2  }
0xb: {  	[smem:$0x3FA8] =	sst s3  }
0xc: {  	[smem:$0x3FA9] =	sst s4  }
0xd: {  	[smem:$0x3FAA] =	sst s5  }
0xe: {  	[smem:$0x3FAB] =	sst s6  }
0xf: {  	[smem:$0x3FAC] =	sst s7  }
0x10: {  	[smem:$0x3FAD] =	sst s8  }
0x11: {  	[smem:$0x3FAE] =	sst s9;
	s0 =	simm.s32 @!p0 $0x0  }
0x12: {  	s1 =	sld [smem:$0x3F94];
	s0 =	simm.s32 @p0 $0x1  }
0x13: {  	[smem:$0x3FAF] =	sst s0;
	s0 =	simm.s32 @!p1 $0x0  }
0x14: {  	s2 =	sld [smem:$0x3F93];
	s0 =	simm.s32 @p1 $0x1  }
0x15: {  	[smem:$0x3FB0] =	sst s0;
	s0 =	simm.s32 @!p2 $0x0  }
0x16: {  	s3 =	sld [smem:$0x3FDB];
	s0 =	simm.s32 @p2 $0x1  }
0x17: {  	s4 =	simm.s32 $0x1BF5;
	[smem:$0x3FB2] =	sst s0  }
0x18: {  	s0 =	sld [smem:$0x3F95];
	_ =	swait.ge [sflag:s4], $0x0  }
0x19: {  	s7 =	sld [smem:$0x3F96]  }
0x1a: {  	s8 =	sadd.s32 $0xFFFFE003, lr  }
0x1b: {  	s9 =	sadd.s32 $0xFFFFFEF7, lr;
	s5 =	simm.s32 $0xFFFFFFFF;
	p2 =	slt.u32 s8, $0xFFFFF086  }
0x1c: {  	p1 =	slt.u32 s9, $0xF7A;
	s5 =	simm.s32 @!p2 $0x0  }
0x1d: {  	s5 =	simm.s32 @p1 $0x1;
	p0 =	seq.s32 s7, s2  }
0x1e: {  	s7 =	smul.u32 @!p0 $0xF7A, s2;
	p2 =	seq.s32 @!p0 s5, $0x0  }
0x1f: {  	s9 =	smul.u32 $0xF7A, s1;
	s8 =	simm.s32 @!p0 $0x1BF5;
	p2 =	por !p2, p0  }
0x20: {  	[sflag:s8] =	ssyncset.s32 @!p0 $0xFFFFF086;
	s6 =	sadd.s32 @!p0 s3, s7;
	s7 =	simm.s32 @!p0 $0x108  }
0x21: {  	s3 =	sadd.s32 s3, s9;
	s6 =	sadd.s32 @!p0 $0x88, s6;
	s7 =	simm.s32 @p2 $0x1082  }
0x22: {  	[simem:s7], [sflag:s8] =	dma.local @!p0 [hbm:s6], $0xF7A  }
0x23: {  	s9 =	sor.u32 $0xD0000000, s2;
	s6 =	simm.s32 $0x108;
	_ =	swait.ge @!p0 [sflag:s8], $0x0  }
0x24: {  	s3 =	sadd.s32 $0x88, s3;
	s6 =	simm.s32 @!p1 $0x1082;
	[sflag:s4] =	ssyncset.s32 $0xFFFFF086  }
0x25: {  	[simem:s6], [sflag:s4] =	dma.local [hbm:s3], $0xF7A  }
0x26: {  	[smem:$0x3F96] =	sst s1;
	(tag) =	ssettag s2;
	_ =	strace s9  }
0x27: {  	s1 =	sld [smem:$0x3FA6]  }
0x28: {  	s2 =	sld [smem:$0x3FA7]  }
0x29: {  	s4 =	sld [smem:$0x3FA9]  }
0x2a: {  	p0 =	seq.s32 s5, $0x0;
	s5 =	sld [smem:$0x3FAA]  }
0x2b: {  	s6 =	sld [smem:$0x3FAB]  }
0x2c: {  	s7 =	sld [smem:$0x3FAC]  }
0x2d: {  	s3 =	simm.s32 $0x108;
	s8 =	sld [smem:$0x3FAD]  }
0x2e: {  	s3 =	simm.s32 @!p0 $0x1082;
	s9 =	sld [smem:$0x3FAE]  }
0x2f: {  	lr =	sadd.s32 s0, s3;
	s0 =	sld [smem:$0x3FA5]  }
0x30: {  	s3 =	sld [smem:$0x3FA8]  }
0x31: {  	[smem:$0x3FB1] =	sst s10  }
0x32: {  	s10 =	sld [smem:$0x3FAF];
	_ =	sdelay $0x3  }
0x33: {  	p0 =	seq.s32 s10, $0x1;
	s10 =	sld [smem:$0x3FB1];
	_ =	sdelay $0x3  }
0x34: {  	[smem:$0x3FB1] =	sst s10  }
0x35: {  	s10 =	sld [smem:$0x3FB0];
	_ =	sdelay $0x3  }
0x36: {  	p1 =	seq.s32 s10, $0x1;
	s10 =	sld [smem:$0x3FB1];
	_ =	sdelay $0x3  }
0x37: {  	[smem:$0x3FB1] =	sst s10  }
0x38: {  	s10 =	sld [smem:$0x3FB2]  }
0x39: {  	_ = 	snop;
	(pc) =	sbr.ind lr, $3  }
0x3a: {  	_ = 	snop  }
0x3b: {  	_ = 	snop  }
0x3c: {  	p2 =	seq.s32 s10, $0x1;
	s10 =	sld [smem:$0x3FB1]  }
0x3d: {  	_ =	shalt  }
0x3e: {  	_ =	shalt  }
0x3f: {  	_ =	shalt  }
0x40: {  	_ =	shalt  }
0x41: {  	_ =	shalt  }
0x42: {  	_ =	shalt  }
0x43: {  	_ =	shalt  }
0x44: {  	_ =	shalt  }
0x45: {  	_ =	shalt  }
0x46: {  	_ =	shalt  }
0x47: {  	_ =	shalt  }
0x48: {  	_ =	shalt  }
0x49: {  	_ =	shalt  }
0x4a: {  	_ =	shalt  }
0x4b: {  	_ =	shalt  }
0x4c: {  	_ =	shalt  }
0x4d: {  	_ =	shalt  }
0x4e: {  	_ =	shalt  }
0x4f: {  	_ =	shalt  }
0x50: {  	_ =	shalt  }
0x51: {  	_ =	shalt  }
0x52: {  	_ =	shalt  }
0x53: {  	_ =	shalt  }
0x54: {  	_ =	shalt  }
0x55: {  	_ =	shalt  }
0x56: {  	_ =	shalt  }
0x57: {  	_ =	shalt  }
0x58: {  	_ =	shalt  }
0x59: {  	_ =	shalt  }
0x5a: {  	_ =	shalt  }
0x5b: {  	_ =	shalt  }
0x5c: {  	_ =	shalt  }
0x5d: {  	_ =	shalt  }
0x5e: {  	_ =	shalt  }
0x5f: {  	_ =	shalt  }
0x60: {  	_ =	shalt  }
0x61: {  	_ =	shalt  }
0x62: {  	_ =	shalt  }
0x63: {  	_ =	shalt  }
0x64: {  	_ =	shalt  }
0x65: {  	_ =	shalt  }
0x66: {  	_ =	shalt  }
0x67: {  	_ =	shalt  }
0x68: {  	_ =	shalt  }
0x69: {  	_ =	shalt  }
0x6a: {  	_ =	shalt  }
0x6b: {  	_ =	shalt  }
0x6c: {  	_ =	shalt  }
0x6d: {  	_ =	shalt  }
0x6e: {  	_ =	shalt  }
0x6f: {  	_ =	shalt  }
0x70: {  	_ =	shalt  }
0x71: {  	_ =	shalt  }
0x72: {  	_ =	shalt  }
0x73: {  	_ =	shalt  }
0x74: {  	_ =	shalt  }
0x75: {  	_ =	shalt  }
0x76: {  	_ =	shalt  }
0x77: {  	_ =	shalt  }
0x78: {  	_ =	shalt  }
0x79: {  	_ =	shalt  }
0x7a: {  	_ =	shalt  }
0x7b: {  	_ =	shalt  }
0x7c: {  	_ =	shalt  }
0x7d: {  	_ =	shalt  }
0x7e: {  	_ =	shalt  }
0x7f: {  	_ =	shalt  }
0x80: {  	_ =	shalt  }
0x81: {  	_ =	shalt  }
0x82: {  	_ =	shalt  }
0x83: {  	_ =	shalt  }
0x84: {  	_ =	shalt  }
0x85: {  	_ =	shalt  }
0x86: {  	_ =	shalt  }
0x87: {  	_ =	shalt  }
.Lfunc_end0:
.L_simem_size_0:
called_computation_lowered:
.L_overlay_start_0:
0x88: {  	s2 =	sld [smem:$0x3FD9]  }
0x89: {  	s3 =	sld [smem:$0x3FFE];
	_ =	sdelay $0x1  }
0x8a: {  	s1 =	srdreg.scid  }
0x8b: {  	s0 =	sand.u32 $0x1, s1  }
0x8c: {  	s16 =	sshll.u32 s0, $0xA;
	s2 =	sadd.s32 s3, s2  }
0x8d: {  	s2 =	sadd.s32 s2, s16  }
0x8e: {  	[smem:$0x3FBD] =	sst s2  }
0x8f: {  	_ = 	snop  }
0x90: {  	(tm) =	ssettm $0x1  }
0x91: {  	s17 =	sld [smem:$0x3FFB];
	_ =	sdelay $0x3  }
0x92: {  	_ =	strace s17  }
0x93: {  	s2 =	sld [smem:$0x3FFC];
	_ =	sdelay $0x3  }
0x94: {  	_ =	strace s2  }
0x95: {  	s2 =	sld [smem:$0x3FFD];
	_ =	sdelay $0x3  }
0x96: {  	_ =	strace s2  }
0x97: {  	_ =	strace $0x8FFFFFFF  }
0x98: {  	s18 =	sld [smem:$0x3FDB];
	_ =	sdelay $0x1  }
0x99: {  	s19 =	simm.s32 $_scs_section_size  }
0x9a: {  	s4 =	simm.s32 $_size__tile_overlayer_lowered;
	s5 =	simm.s32 $_tile_overlayer_lowered  }
0x9b: {  	s22 =	simm.s32 $0x1BFF;
	s21 =	sshll.u32 s5, $0x1;
	s2 =	sadd.s32 s19, s18  }
0x9c: {  	s6 =	simm.s32 $0x0;
	s20 =	sshll.u32 s4, $0x1;
	s4 =	sadd.s32 s21, s2  }
0x9d: {  	[timem:s6], [sflag:s22] =	dma.local [hbm:s4], s20  }
0x9e: {  	_ =	swait.ge [sflag:s22], s20  }
0x9f: {  	s3 =	ssub.s32 $0x0, s20;
	[sflag:s22] =	ssyncset.done $0x0  }
0xa0: {  	[sflag:s22] =	ssyncadd.s32 s3;
	_ =	sdelay $0x1  }
0xa1: {  	s23 =	simm.s32 $0x1B8B  }
0xa2: {  	_ =	swait.ge [sflag:s23], $0x1  }
0xa3: {  	[sflag:s23] =	ssyncset.done $0x0  }
0xa4: {  	s25 =	simm.s32 $0x1B8E;
	s24 =	sld [smem:$0x3FFE];
	[sflag:s23] =	ssyncadd.s32 $0xFFFFFFFF  }
0xa5: {  	s26 =	simm.s32 $execute0_lowered;
	[smem:$0x3FD2] =	sst s25  }
0xa6: {  	s4 =	sshll.u32 s26, $0x1;
	_ =	strace $0x80000046;
	[dreg:$0x1] =	wrdreg $0xFFFFFFFF  }
0xa7: {  	s28 =	simm.s32 $_size_execute0_lowered;
	s2 =	sadd.s32 s2, s4;
	[dreg:$0x0] =	wrdreg $0x0  }
0xa8: {  	s4 =	sshll.u32 s28, $0x1;
	[dreg:$0x2] =	wrdreg s2  }
0xa9: {  	[dreg:$0x3] =	wrdreg s4  }
0xaa: {  	[dreg:$0x4] =	wrdreg $0xC0  }
0xab: {  	_ =	task [dreg:s6], $0x5FFFF  }
0xac: {  	[dreg:$0x1] =	wrdreg $0xFFFFFFFF  }
0xad: {  	[dreg:$0x0] =	wrdreg $0x60  }
0xae: {  	[dreg:$0x2] =	wrdreg s24  }
0xaf: {  	[dreg:$0x3] =	wrdreg $0xCC000  }
0xb0: {  	[dreg:$0x4] =	wrdreg $0x9  }
0xb1: {  	_ =	task.clear_ibuf [dreg:s6], $0x5FFFF;
	_ =	strace $0x90000046  }
0xb2: {  	s29 =	simm.s32 $0x9;
	_ =	strace $0x80000048  }
0xb3: {  	_ =	swait.ge [sflag:s29], $0x1  }
0xb4: {  	[sflag:s29] =	ssyncadd.s32 $0xFFFFFFFF  }
0xb5: {  	_ =	strace $0x90000048  }
0xb6: {  	_ =	sfence  }
0xb7: {  	s30 =	sld [smem:$0x0];
	_ =	sdelay $0x2  }
0xb8: {  	s31 =	sshll.u32 s1, $0xD;
	s1 =	sshrl.u32 s1, $0x2  }
0xb9: {  	s3 =	sand.u32 $0x4000, s31;
	s1 =	sadd.s32 s1, s30  }
0xba: {  	s0 =	sor.u32 s3, s0;
	s1 =	sshll.u32 s1, $0x11  }
0xbb: {  	s0 =	sor.u32 s1, s0  }
0xbc: {  	s0 =	sadd.s32 $0x8F2B, s0  }
0xbd: {  	[sflag:s0] =	ssyncadd.remote.s32 $0x1  }
0xbe: {  	_ =	sfence.sel $0xFFFF  }
0xbf: {  	[dreg:$0x0] =	wrdreg $0xFFFFFFFF;
	(pc) =	sbr.abs _section_cstart, $3  }
0xc0: {  	[dreg:$0x1] =	wrdreg $0xFFFFFFFF  }
0xc1: {  	_ =	task.clear_ibuf [dreg:s6], $0x2FFFF;
	_ =	strace $0x9FFFFFFF  }
0xc2: {  	(tm) =	ssettm $0x7FFFFFFF  }
0xc3: {  	_ =	shalt  }
tec
execute0_lowered:
.L_overlay_start_1:
0x0: {  	(tag) =	ssettag $0x1  }
0x1: {  	s5 =	rddreg [dreg:$0x0]  }
0x2: {  	s0 =	srdreg.scid;
	s2 =	rddreg [dreg:$0x1]  }
0x3: {  	s1 =	rddreg [dreg:$0x2];
	s6 =	sand.u32 $0x1, s0  }
0x4: {  	s3 =	simm.s32 $0x0;
	s0 =	stileid.u32;
	s4 =	smul.u32 $0xA0000, s6  }
0x5: {  	s10 =	simm.s32 $0x1;
	[smem:$0x7FF] =	sst s3;
	s7 =	smul.u32 $0xA000, s0  }
0x6: {  	s11 =	simm.s32 $0x190;
	_ =	strace $0x80000047;
	s8 =	smul.u32 $0x28000, s0  }
0x7: {  	s31 =	ssub.s32 $0x2, s6;
	s12 =	smul.u32 $0xFFFFEC78, s6;
	s13 =	sshll.u32 s0, $0x6  }
0x8: {  	s6 =	smul.u32 $0x4E20, s0;
	s9 =	sshrl.u32 s31, $0x1;
	s13 =	sor.u32 $0x1C01, s13  }
0x9: {  	s4 =	sadd.s32 s7, s4;
	s8 =	sshrl.u32 s8, $0x2;
	s9 =	ssub.s32 s31, s9  }
0xa: {  	v0 =	vmov s12;
	s12 =	simm.s32 $0x200;
	s7 =	sshrl.u32 s4, $0x3;
	s4 =	sadd.s32 $0xE600, s5  }
0xb: {  	s7 =	sadd.s32 s7, s5;
	s5 =	sadd.s32 s8, s2;
	s8 =	smax.u32 s9, $0x1  }
0xc: {  	v1 =	vimm.f32 $0.0e+00;
	v2 =	vimm.f32 $1.000000000e+00;
	s9 =	simm.s32 $0x400;
	s7 =	sadd.s32 $0x18400, s7;
	s14 =	sshrl.u32 s5, $0x3  }
.LBB2_1:
0xd: {  	s15 =	simm.s32 $0x200;
	s16 =	simm.s32 $0x0  }
.LBB2_2:
0xe: {  	p0 =	sne.s32 s15, $0x31E00;
	[tilespmem:s16+$0x400] =	vst v1;
	s16 =	smov.u32 s15;
	s15 =	sadd.s32 $0x200, s15  }
.Ltmp0:
0xf: {  	(pc) =	sbr.rel @p0 .LBB2_2-.Ltmp0, $2  }
0x10: {  	_ =	sdelay $0x2  }
0x11: {  	s16 =	sshra.s32 s16, $0x2  }
0x12: {  	[tilespmem:s16+$0x400] =	vst v1  }
0x13: {  	[spmem:s5] =	stream.linear.scatter [tilespmem:s9], [sflag:$0x1], $0xA000, $0x38;
	[tilespmem:$0xE000] =	vst v63  }
0x14: {  	_ =	swait.ge [sflag:s10], $0xA000  }
0x15: {  	[sflag:s10] =	ssyncset.done $0x0  }
0x16: {  	s15 =	simm.s32 $0x200;
	s16 =	simm.s32 $0x0;
	[sflag:s10] =	ssyncadd.s32 $0xFFFF6000  }
.LBB2_4:
0x17: {  	p0 =	sne.s32 s15, $0x31E00;
	[tilespmem:s16+$0x400] =	vst v2;
	s16 =	smov.u32 s15;
	s15 =	sadd.s32 $0x200, s15  }
.Ltmp1:
0x18: {  	(pc) =	sbr.rel @p0 .LBB2_4-.Ltmp1, $2  }
0x19: {  	_ =	sdelay $0x2  }
0x1a: {  	s16 =	sshra.s32 s16, $0x2  }
0x1b: {  	[tilespmem:s16+$0x400] =	vst v2  }
0x1c: {  	s15 =	simm.s32 $0x0;
	s16 =	simm.s32 $0x0;
	[bflag:$0x0] =	sbarrier.arrive $0xFFFF  }
.LBB2_6:
0x1d: {  	s17 =	smul.u32 $0x190, s16;
	_ =	sdelay $0x1  }
0x1e: {  	s17 =	sadd.s32 s6, s17  }
0x1f: {  	s17 =	sshrl.u32 s17, $0x3  }
0x20: {  	s17 =	sadd.s32 s4, s17  }
0x21: {  	[tilespmem:s15], [sflag:$0x1] =	stream.linear.gather [hbm4b:s17+s15], $0x190, $0x38;
	[tilespmem:$0xE000] =	vst v63  }
0x22: {  	_ =	swait.ge [sflag:s10], $0x190  }
0x23: {  	[sflag:s10] =	ssyncset.done $0x0  }
0x24: {  	s17 =	simm.s32 $0x0;
	[sflag:s10] =	ssyncadd.s32 $0xFFFFFE70  }
0x25: {  	s18 =	simm.s32 $0x40;
	v3 =	vld [tilespmem:s17+$0x0]  }
.LBB2_7:
0x26: {  	_ =	sdelay $0x1  }
0x27: {  	p0 =	sne.s32 s18, $0x600  }
.Ltmp2:
0x28: {  	_ = 	snop;
	(pc) =	sbr.rel @p0 .LBB2_7-.Ltmp2, $4  }
0x29: {  	v4 =	vadd.s32 v0, v3  }
0x2a: {  	vm0 =	vlt.u32 v4, $0x1388  }
0x2b: {  	s19 =	sshra.s32 s18, $0x2;
	v4 =	vnsel vm0, $0x13FF, v4  }
0x2c: {  	s18 =	sadd.s32 $0x40, s18;
	v3 =	vld [tilespmem:s19+$0x0];
	[tilespmem:s17+$0x200] =	vst v4;
	s17 =	smov.u32 s19  }
0x2d: {  	_ =	sdelay $0x3  }
0x2e: {  	v3 =	vadd.s32 v0, v3  }
0x2f: {  	s16 =	sadd.s32 $0x1, s16;
	vm0 =	vlt.u32 v3, $0x1388  }
0x30: {  	p0 =	sne.s32 s16, $0x32;
	v3 =	vnsel vm0, $0x13FF, v3  }
.Ltmp3:
0x31: {  	[tilespmem:s17+$0x200] =	vst v3;
	(pc) =	sbr.rel @p0 .LBB2_6-.Ltmp3, $4  }
0x32: {  	[spmem:s2] =	stream.indirect.scatter.add.f32 [tilespmem:s9], [sflag:$0x1], $0x10, s12, s11, $0xb8;
	[tilespmem:$0xE000] =	vst v63  }
0x33: {  	_ =	swait.ge [sflag:s10], $0x1900  }
0x34: {  	[sflag:s10] =	ssyncset.done $0x0  }
0x35: {  	[sflag:s10] =	ssyncadd.s32 $0xFFFFE700  }
0x36: {  	s3 =	sadd.s32 $0x1, s3  }
0x37: {  	p0 =	sne.s32 s3, s8  }
.Ltmp4:
0x38: {  	[bflag:$0x0] =	sbarrier.arrive $0xFFFF;
	(pc) =	sbr.rel @p0 .LBB2_1-.Ltmp4, $4  }
0x39: {  	[hbm:s7], [sflag:s13] =	dma.local [spmem:s14], $0x1400  }
0x3a: {  	_ =	swait.ge [sflag:s10], $0x1400  }
0x3b: {  	[sflag:s10] =	ssyncset.done $0x0  }
0x3c: {  	[sflag:s10] =	ssyncadd.s32 $0xFFFFEC00  }
0x3d: {  	_ =	sfence.sel $0x180000  }
0x3e: {  	[bflag:$0x0] =	sbarrier.arrive $0xFFFF  }
0x3f: {  	p0 =	sne.s32 s0, $0x0;
	_ =	strace $0x90000047  }
0x40: {  	s0 =	sadd.s32 @!p0 $0x100000, s1;
	[bflag:$0x2] =	sbarrier.arrive $0xFFFF  }
0x41: {  	[sflag:s0] =	ssyncadd.tile.s32 @!p0 $0x1;
	_ =	shalt  }
.Lfunc_end2:
_tile_overlayer_lowered:
.L_overlay_start_2:
0x42: {  	(tag) =	ssettag $0x2  }
0x43: {  	s0 =	rddreg [dreg:$0x0];
	s2 =	stileid.u32  }
0x44: {  	s1 =	rddreg [dreg:$0x1];
	p0 =	sne.s32 s2, $0x0  }
0x45: {  	s3 =	rddreg [dreg:$0x2];
	[bflag:$0x3] =	sbarrier.arrive $0xFFFF;
	s2 =	simm.s32 @!p0 $0x1C01  }
0x46: {  	[timem:s3], [sflag:s2] =	dma.local @!p0 [hbm:s0], s1  }
0x47: {  	s0 =	simm.s32 @!p0 $0x1  }
0x48: {  	_ =	swait.ge @!p0 [sflag:s0], s1  }
0x49: {  	s1 =	ssub.s32 @!p0 $0x0, s1;
	[sflag:s0] =	ssyncset.done @!p0 $0x0  }
0x4a: {  	[sflag:s0] =	ssyncadd.s32 @!p0 s1  }
0x4b: {  	[bflag:$0x3] =	sbarrier.arrive $0xFFFF  }
0x4c: {  	_ =	shalt  }

</sc_bundles>
